<compile_context>
chip_gen: v7x
topology: tpu7x:2x2x1
jax: 0.10.2.dev20260603
libtpu: 0.0.44.dev20260713+nightly
codegen_flags: <defaults>
</compile_context>

<pallas_src>
import jax
import jax.numpy as jnp
from jax import lax
from jax.experimental import pallas as pl
from jax.experimental.pallas import tpu as pltpu
from jax.experimental.pallas import tpu_sc as plsc

EMBEDDING_DIM = 128
NUM_VARS = 128
BATCH = 4096

_INFO = plsc.get_sparse_core_info()
_NC = _INFO.num_cores
_NS = _INFO.num_subcores
_LANES = _INFO.num_lanes
_NW = _NC * _NS
_B_PER_W = BATCH // _NW
_SUB = 8
_GROUPS = _B_PER_W // _LANES
_OCTETS = _B_PER_W // _SUB


def _gather_body(emb_hbm, ind_hbm, out_hbm, ind_v, tbuf, dummy_v,
                 rows_v, sem_in, sem_gen):
    wid = lax.axis_index("s") * _NC + lax.axis_index("c")
    base = wid * _B_PER_W

    pltpu.sync_copy(ind_hbm.at[pl.ds(pl.multiple_of(base, 8), _B_PER_W)],
                    ind_v.at[pl.ds(0, _B_PER_W)])

    cvs = [(jnp.abs(ind_v[pl.ds(g * _LANES, _LANES)]) - 1) * EMBEDDING_DIM
           for g in range(_GROUPS)]
    c00 = cvs[0][0]
    allv = cvs[0] == c00
    for g in range(1, _GROUPS):
        allv &= cvs[g] == c00
    allv_i = jnp.where(allv, 1, 0)
    acc = allv_i[0]
    for r in range(1, _LANES):
        acc &= allv_i[r]
    worker_uni = acc == 1

    @pl.when(worker_uni)
    def _worker_fast():
        half = _B_PER_W // 2
        c0a = pl.multiple_of(c00, EMBEDDING_DIM)
        b0 = pl.multiple_of(base, _SUB)
        b1 = pl.multiple_of(base + half, _SUB)
        src_a = emb_hbm.at[pl.ds(b0, half), pl.ds(c0a, EMBEDDING_DIM)]
        src_b = emb_hbm.at[pl.ds(b1, half), pl.ds(c0a, EMBEDDING_DIM)]
        va = rows_v.at[pl.ds(0, half)]
        vb = rows_v.at[pl.ds(half, half)]
        pltpu.async_copy(src_a, va, sem_in)
        pltpu.async_copy(src_b, vb, sem_gen)
        pltpu.make_async_copy(src_a, va, sem_in).wait()
        pltpu.async_copy(va, out_hbm.at[pl.ds(b0, half)], sem_in)
        pltpu.make_async_copy(src_b, vb, sem_gen).wait()
        pltpu.async_copy(vb, out_hbm.at[pl.ds(b1, half)], sem_gen)
        pltpu.make_async_copy(src_a, va, sem_in).wait()
        pltpu.make_async_copy(src_b, vb, sem_gen).wait()

    @pl.when(jnp.logical_not(worker_uni))
    def _per_octet():
        def octet(o, carry):
            o8 = pl.multiple_of(o * _SUB, _SUB)
            row0 = pl.multiple_of(base + o8, _SUB)
            cvec = (jnp.abs(ind_v[pl.ds(o8, _LANES)]) - 1) * EMBEDDING_DIM
            co = [cvec[r] for r in range(_SUB)]
            uni_i = jnp.int32(1)
            for r in range(1, _SUB):
                uni_i &= jnp.where(co[0] == co[r], 1, 0)

            @pl.when(uni_i == 1)
            def _uniform():
                pltpu.async_copy(
                    emb_hbm.at[pl.ds(row0, _SUB),
                               pl.ds(pl.multiple_of(co[0], EMBEDDING_DIM),
                                     EMBEDDING_DIM)],
                    rows_v.at[pl.ds(o8, _SUB)],
                    sem_in,
                )

            @pl.when(uni_i != 1)
            def _general():
                for r in range(_SUB):
                    pltpu.async_copy(
                        emb_hbm.at[pl.ds(row0, _SUB),
                                   pl.ds(pl.multiple_of(co[r], EMBEDDING_DIM),
                                         EMBEDDING_DIM)],
                        tbuf.at[r],
                        sem_gen,
                    )
                for r in range(_SUB):
                    pltpu.make_async_copy(
                        emb_hbm.at[pl.ds(0, _SUB), pl.ds(0, EMBEDDING_DIM)],
                        tbuf.at[r],
                        sem_gen,
                    ).wait()

                def extract(r, c2):
                    for m in range(EMBEDDING_DIM // _LANES):
                        rows_v[o8 + r, pl.ds(m * _LANES, _LANES)] = (
                            tbuf[r, r, pl.ds(m * _LANES, _LANES)])
                    return c2

                lax.fori_loop(0, _SUB, extract, 0)
                pltpu.async_copy(
                    emb_hbm.at[pl.ds(row0, _SUB), pl.ds(0, EMBEDDING_DIM)],
                    dummy_v,
                    sem_in,
                )

            return carry

        lax.fori_loop(0, _OCTETS, octet, 0)

        def drain(o, carry):
            pltpu.make_async_copy(
                emb_hbm.at[pl.ds(0, _SUB), pl.ds(0, EMBEDDING_DIM)],
                dummy_v,
                sem_in,
            ).wait()
            return carry

        lax.fori_loop(0, _OCTETS, drain, 0)

        pltpu.sync_copy(rows_v,
                        out_hbm.at[pl.ds(pl.multiple_of(base, 8), _B_PER_W)])


@jax.jit
def kernel(embeddings, output_ind):
    mesh = plsc.VectorSubcoreMesh(core_axis_name="c", subcore_axis_name="s")
    run = pl.kernel(
        _gather_body,
        mesh=mesh,
        out_type=jax.ShapeDtypeStruct((BATCH, EMBEDDING_DIM), jnp.float32),
        scratch_types=[
            pltpu.VMEM((_B_PER_W + _LANES,), jnp.int32),
            pltpu.VMEM((_SUB, _SUB, EMBEDDING_DIM), jnp.float32),
            pltpu.VMEM((_SUB, EMBEDDING_DIM), jnp.float32),
            pltpu.VMEM((_B_PER_W, EMBEDDING_DIM), jnp.float32),
            pltpu.SemaphoreType.DMA,
            pltpu.SemaphoreType.DMA,
        ],
    )
    return run(embeddings, output_ind)

# --- scband reference (transcript-rebuilt; emitter-appended) ---
"""Pipeline reference for scband-top-var-embedder-24507083391204 (READ-ONLY COPY).

The authoritative reference and input builder live on the scoring server;
editing this copy changes nothing except your own understanding.
"""

import jax, jax.numpy as jnp
import numpy as np

EMBEDDING_DIM = 128
NUM_VARS = 128
BATCH = 4096


def setup_inputs(seed: int = 0) -> dict:
    key = jax.random.key(seed)
    k1, k2 = jax.random.split(key)
    embeddings = jax.random.normal(k1, (BATCH, NUM_VARS * EMBEDDING_DIM), dtype=jnp.float32)
    # output_ind holds 1-based signed variable indices; abs(output_ind) must be >= 1.
    output_ind = jnp.ones((BATCH,), dtype=jnp.int32)
    return {"embeddings": embeddings, "output_ind": output_ind}


def reference(embeddings, output_ind):
    # b = ((|output_ind| - 1) * embedding_dim).view(-1, 1)
    b = ((jnp.abs(output_ind) - 1) * EMBEDDING_DIM).reshape(-1, 1)
    # ind = cat([b, b+1, ..., b+embedding_dim-1], dim=1)
    ind = jnp.concatenate([b] + [b + 1 + i for i in range(EMBEDDING_DIM - 1)], axis=1)
    # out = torch.gather(embeddings, 1, ind)
    out = jnp.take_along_axis(embeddings, ind, axis=1)
    return out

if __name__ == "__main__":
    import jax
    _d = setup_inputs()
    print(jax.jit(kernel)(*tuple(_d.values())))

</pallas_src>

<mosaic_0001>
#map = affine_map<(d0, d1) -> (0, 0)>
#map1 = affine_map<(d0, d1) -> (0)>
module attributes {stable_mosaic.version = 14 : i64} {
  func.func @_gather_body(%arg0: i32, %arg1: i32, %arg2: memref<4096x16384xf32, #tpu.memory_space<hbm>>, %arg3: memref<4096xi32, #tpu.memory_space<hbm>>, %arg4: memref<4096x128xf32, #tpu.memory_space<hbm>>, %arg5: memref<144xi32, #tpu.memory_space<vmem>>, %arg6: memref<8x8x128xf32, #tpu.memory_space<vmem>>, %arg7: memref<8x128xf32, #tpu.memory_space<vmem>>, %arg8: memref<128x128xf32, #tpu.memory_space<vmem>>, %arg9: memref<!tpu.dma_semaphore, #tpu.memory_space<semaphore_mem>>, %arg10: memref<!tpu.dma_semaphore, #tpu.memory_space<semaphore_mem>>) attributes {dimension_semantics = [#tpu.dimension_semantics<core_parallel>, #tpu.dimension_semantics<subcore_parallel>], iteration_bounds = array<i64: 2, 16>, scalar_prefetch = 0 : i64, scratch_operands = 6 : i64, tpu.core_type = #tpu.core_type<sc_vector_subcore>, window_params = [{transform_indices = #map}, {transform_indices = #map1}, {transform_indices = #map}]} {
    %mul3A = arith.constant 2 : i32
    %mul3A_0 = arith.muli %arg1, %mul3A : i32
    %add3A = arith.addi %mul3A_0, %arg0 : i32
    %mul3A_1 = arith.constant 128 : i32
    %mul3A_2 = arith.muli %add3A, %mul3A_1 : i32
    %multiple_of3A = tpu.assume_multiple %mul3A_2, 8 : i32
    "tpu.region"() ({
      %run_scoped3A = tpu.sem_alloc : memref<!tpu.dma_semaphore, #tpu.memory_space<semaphore_mem>>
      %dma_start3A = arith.constant 0 : i32
      %dma_start3A_157 = tpu.memref_slice %arg5[%dma_start3A] : memref<144xi32, #tpu.memory_space<vmem>> -> memref<128xi32, #tpu.memory_space<vmem>>
      %dma_start3A_158 = tpu.memref_slice %arg3[%multiple_of3A] : memref<4096xi32, #tpu.memory_space<hbm>> -> memref<128xi32, #tpu.memory_space<hbm>>
      %dma_start3A_159 = arith.constant 0 : i32
      %dma_start3A_160 = tpu.memref_slice %arg5[%dma_start3A_159] : memref<144xi32, #tpu.memory_space<vmem>> -> memref<128xi32, #tpu.memory_space<vmem>>
      %dma_start3A_161 = tpu.memref_slice %arg3[%multiple_of3A] : memref<4096xi32, #tpu.memory_space<hbm>> -> memref<128xi32, #tpu.memory_space<hbm>>
      tpu.enqueue_dma source(%dma_start3A_161 : memref<128xi32, #tpu.memory_space<hbm>>) target(%dma_start3A_160 : memref<128xi32, #tpu.memory_space<vmem>>) target_semaphore(%run_scoped3A : memref<!tpu.dma_semaphore, #tpu.memory_space<semaphore_mem>>)
      %dma_wait3A = arith.constant 0 : i32
      %dma_wait3A_162 = tpu.memref_slice %arg5[%dma_wait3A] : memref<144xi32, #tpu.memory_space<vmem>> -> memref<128xi32, #tpu.memory_space<vmem>>
      %dma_wait3A_163 = tpu.memref_slice %arg3[%multiple_of3A] : memref<4096xi32, #tpu.memory_space<hbm>> -> memref<128xi32, #tpu.memory_space<hbm>>
      %dma_wait3A_164 = arith.constant 0 : i32
      %dma_wait3A_165 = tpu.memref_slice %arg5[%dma_wait3A_164] : memref<144xi32, #tpu.memory_space<vmem>> -> memref<128xi32, #tpu.memory_space<vmem>>
      %dma_wait3A_166 = tpu.memref_slice %arg3[%multiple_of3A] : memref<4096xi32, #tpu.memory_space<hbm>> -> memref<128xi32, #tpu.memory_space<hbm>>
      tpu.wait_dma2 semaphore(%run_scoped3A : memref<!tpu.dma_semaphore, #tpu.memory_space<semaphore_mem>>) src(%dma_wait3A_166 : memref<128xi32, #tpu.memory_space<hbm>>) dst(%dma_wait3A_165 : memref<128xi32, #tpu.memory_space<vmem>>)
      tpu.yield
    }) : () -> ()
    %get3A = arith.constant 0 : index
    %get3A_3 = tpu.vector_load %arg5[%get3A] {strides = array<i32>} : memref<144xi32, #tpu.memory_space<vmem>>, vector<16xi32>,
    %get3A_4 = vector.shape_cast %get3A_3 : vector<16xi32> to vector<16xi32>
    %abs3A = math.absi %get3A_4 : vector<16xi32>
    %sub3A = arith.constant 1 : i32
    %sub3A_5 = vector.broadcast %sub3A : i32 to vector<16xi32>
    %sub3A_6 = arith.subi %abs3A, %sub3A_5 : vector<16xi32>
    %mul3A_7 = arith.constant 128 : i32
    %mul3A_8 = vector.broadcast %mul3A_7 : i32 to vector<16xi32>
    %mul3A_9 = arith.muli %sub3A_6, %mul3A_8 : vector<16xi32>
    %get3A_10 = arith.constant 16 : index
    %get3A_11 = tpu.vector_load %arg5[%get3A_10] {strides = array<i32>} : memref<144xi32, #tpu.memory_space<vmem>>, vector<16xi32>,
    %get3A_12 = vector.shape_cast %get3A_11 : vector<16xi32> to vector<16xi32>
    %abs3A_13 = math.absi %get3A_12 : vector<16xi32>
    %sub3A_14 = arith.constant 1 : i32
    %sub3A_15 = vector.broadcast %sub3A_14 : i32 to vector<16xi32>
    %sub3A_16 = arith.subi %abs3A_13, %sub3A_15 : vector<16xi32>
    %mul3A_17 = arith.constant 128 : i32
    %mul3A_18 = vector.broadcast %mul3A_17 : i32 to vector<16xi32>
    %mul3A_19 = arith.muli %sub3A_16, %mul3A_18 : vector<16xi32>
    %get3A_20 = arith.constant 32 : index
    %get3A_21 = tpu.vector_load %arg5[%get3A_20] {strides = array<i32>} : memref<144xi32, #tpu.memory_space<vmem>>, vector<16xi32>,
    %get3A_22 = vector.shape_cast %get3A_21 : vector<16xi32> to vector<16xi32>
    %abs3A_23 = math.absi %get3A_22 : vector<16xi32>
    %sub3A_24 = arith.constant 1 : i32
    %sub3A_25 = vector.broadcast %sub3A_24 : i32 to vector<16xi32>
    %sub3A_26 = arith.subi %abs3A_23, %sub3A_25 : vector<16xi32>
    %mul3A_27 = arith.constant 128 : i32
    %mul3A_28 = vector.broadcast %mul3A_27 : i32 to vector<16xi32>
    %mul3A_29 = arith.muli %sub3A_26, %mul3A_28 : vector<16xi32>
    %get3A_30 = arith.constant 48 : index
    %get3A_31 = tpu.vector_load %arg5[%get3A_30] {strides = array<i32>} : memref<144xi32, #tpu.memory_space<vmem>>, vector<16xi32>,
    %get3A_32 = vector.shape_cast %get3A_31 : vector<16xi32> to vector<16xi32>
    %abs3A_33 = math.absi %get3A_32 : vector<16xi32>
    %sub3A_34 = arith.constant 1 : i32
    %sub3A_35 = vector.broadcast %sub3A_34 : i32 to vector<16xi32>
    %sub3A_36 = arith.subi %abs3A_33, %sub3A_35 : vector<16xi32>
    %mul3A_37 = arith.constant 128 : i32
    %mul3A_38 = vector.broadcast %mul3A_37 : i32 to vector<16xi32>
    %mul3A_39 = arith.muli %sub3A_36, %mul3A_38 : vector<16xi32>
    %get3A_40 = arith.constant 64 : index
    %get3A_41 = tpu.vector_load %arg5[%get3A_40] {strides = array<i32>} : memref<144xi32, #tpu.memory_space<vmem>>, vector<16xi32>,
    %get3A_42 = vector.shape_cast %get3A_41 : vector<16xi32> to vector<16xi32>
    %abs3A_43 = math.absi %get3A_42 : vector<16xi32>
    %sub3A_44 = arith.constant 1 : i32
    %sub3A_45 = vector.broadcast %sub3A_44 : i32 to vector<16xi32>
    %sub3A_46 = arith.subi %abs3A_43, %sub3A_45 : vector<16xi32>
    %mul3A_47 = arith.constant 128 : i32
    %mul3A_48 = vector.broadcast %mul3A_47 : i32 to vector<16xi32>
    %mul3A_49 = arith.muli %sub3A_46, %mul3A_48 : vector<16xi32>
    %get3A_50 = arith.constant 80 : index
    %get3A_51 = tpu.vector_load %arg5[%get3A_50] {strides = array<i32>} : memref<144xi32, #tpu.memory_space<vmem>>, vector<16xi32>,
    %get3A_52 = vector.shape_cast %get3A_51 : vector<16xi32> to vector<16xi32>
    %abs3A_53 = math.absi %get3A_52 : vector<16xi32>
    %sub3A_54 = arith.constant 1 : i32
    %sub3A_55 = vector.broadcast %sub3A_54 : i32 to vector<16xi32>
    %sub3A_56 = arith.subi %abs3A_53, %sub3A_55 : vector<16xi32>
    %mul3A_57 = arith.constant 128 : i32
    %mul3A_58 = vector.broadcast %mul3A_57 : i32 to vector<16xi32>
    %mul3A_59 = arith.muli %sub3A_56, %mul3A_58 : vector<16xi32>
    %get3A_60 = arith.constant 96 : index
    %get3A_61 = tpu.vector_load %arg5[%get3A_60] {strides = array<i32>} : memref<144xi32, #tpu.memory_space<vmem>>, vector<16xi32>,
    %get3A_62 = vector.shape_cast %get3A_61 : vector<16xi32> to vector<16xi32>
    %abs3A_63 = math.absi %get3A_62 : vector<16xi32>
    %sub3A_64 = arith.constant 1 : i32
    %sub3A_65 = vector.broadcast %sub3A_64 : i32 to vector<16xi32>
    %sub3A_66 = arith.subi %abs3A_63, %sub3A_65 : vector<16xi32>
    %mul3A_67 = arith.constant 128 : i32
    %mul3A_68 = vector.broadcast %mul3A_67 : i32 to vector<16xi32>
    %mul3A_69 = arith.muli %sub3A_66, %mul3A_68 : vector<16xi32>
    %get3A_70 = arith.constant 112 : index
    %get3A_71 = tpu.vector_load %arg5[%get3A_70] {strides = array<i32>} : memref<144xi32, #tpu.memory_space<vmem>>, vector<16xi32>,
    %get3A_72 = vector.shape_cast %get3A_71 : vector<16xi32> to vector<16xi32>
    %abs3A_73 = math.absi %get3A_72 : vector<16xi32>
    %sub3A_74 = arith.constant 1 : i32
    %sub3A_75 = vector.broadcast %sub3A_74 : i32 to vector<16xi32>
    %sub3A_76 = arith.subi %abs3A_73, %sub3A_75 : vector<16xi32>
    %mul3A_77 = arith.constant 128 : i32
    %mul3A_78 = vector.broadcast %mul3A_77 : i32 to vector<16xi32>
    %mul3A_79 = arith.muli %sub3A_76, %mul3A_78 : vector<16xi32>
    %slice3A = vector.extract_strided_slice %mul3A_9 {offsets = [0], sizes = [1], strides = [1]} : vector<16xi32> to vector<1xi32>
    %squeeze3A = vector.extract %slice3A[0] : i32 from vector<1xi32>
    %eq3A = vector.broadcast %squeeze3A : i32 to vector<16xi32>
    %eq3A_80 = arith.cmpi eq, %mul3A_9, %eq3A : vector<16xi32>
    %eq3A_81 = vector.broadcast %squeeze3A : i32 to vector<16xi32>
    %eq3A_82 = arith.cmpi eq, %mul3A_19, %eq3A_81 : vector<16xi32>
    %and3A = arith.andi %eq3A_80, %eq3A_82 : vector<16xi1>
    %eq3A_83 = vector.broadcast %squeeze3A : i32 to vector<16xi32>
    %eq3A_84 = arith.cmpi eq, %mul3A_29, %eq3A_83 : vector<16xi32>
    %and3A_85 = arith.andi %and3A, %eq3A_84 : vector<16xi1>
    %eq3A_86 = vector.broadcast %squeeze3A : i32 to vector<16xi32>
    %eq3A_87 = arith.cmpi eq, %mul3A_39, %eq3A_86 : vector<16xi32>
    %and3A_88 = arith.andi %and3A_85, %eq3A_87 : vector<16xi1>
    %eq3A_89 = vector.broadcast %squeeze3A : i32 to vector<16xi32>
    %eq3A_90 = arith.cmpi eq, %mul3A_49, %eq3A_89 : vector<16xi32>
    %and3A_91 = arith.andi %and3A_88, %eq3A_90 : vector<16xi1>
    %eq3A_92 = vector.broadcast %squeeze3A : i32 to vector<16xi32>
    %eq3A_93 = arith.cmpi eq, %mul3A_59, %eq3A_92 : vector<16xi32>
    %and3A_94 = arith.andi %and3A_91, %eq3A_93 : vector<16xi1>
    %eq3A_95 = vector.broadcast %squeeze3A : i32 to vector<16xi32>
    %eq3A_96 = arith.cmpi eq, %mul3A_69, %eq3A_95 : vector<16xi32>
    %and3A_97 = arith.andi %and3A_94, %eq3A_96 : vector<16xi1>
    %eq3A_98 = vector.broadcast %squeeze3A : i32 to vector<16xi32>
    %eq3A_99 = arith.cmpi eq, %mul3A_79, %eq3A_98 : vector<16xi32>
    %and3A_100 = arith.andi %and3A_97, %eq3A_99 : vector<16xi1>
    %jit3A = arith.constant 1 : i32
    %jit3A_101 = arith.constant 0 : i32
    %broadcast_in_dim3A = vector.broadcast %jit3A : i32 to vector<16xi32>
    %broadcast_in_dim3A_102 = vector.broadcast %jit3A_101 : i32 to vector<16xi32>
    %select_n3A = arith.select %and3A_100, %broadcast_in_dim3A, %broadcast_in_dim3A_102 : vector<16xi1>, vector<16xi32>
    %slice3A_103 = vector.extract_strided_slice %select_n3A {offsets = [0], sizes = [1], strides = [1]} : vector<16xi32> to vector<1xi32>
    %squeeze3A_104 = vector.extract %slice3A_103[0] : i32 from vector<1xi32>
    %slice3A_105 = vector.extract_strided_slice %select_n3A {offsets = [1], sizes = [1], strides = [1]} : vector<16xi32> to vector<1xi32>
    %squeeze3A_106 = vector.extract %slice3A_105[0] : i32 from vector<1xi32>
    %and3A_107 = arith.andi %squeeze3A_104, %squeeze3A_106 : i32
    %slice3A_108 = vector.extract_strided_slice %select_n3A {offsets = [2], sizes = [1], strides = [1]} : vector<16xi32> to vector<1xi32>
    %squeeze3A_109 = vector.extract %slice3A_108[0] : i32 from vector<1xi32>
    %and3A_110 = arith.andi %and3A_107, %squeeze3A_109 : i32
    %slice3A_111 = vector.extract_strided_slice %select_n3A {offsets = [3], sizes = [1], strides = [1]} : vector<16xi32> to vector<1xi32>
    %squeeze3A_112 = vector.extract %slice3A_111[0] : i32 from vector<1xi32>
    %and3A_113 = arith.andi %and3A_110, %squeeze3A_112 : i32
    %slice3A_114 = vector.extract_strided_slice %select_n3A {offsets = [4], sizes = [1], strides = [1]} : vector<16xi32> to vector<1xi32>
    %squeeze3A_115 = vector.extract %slice3A_114[0] : i32 from vector<1xi32>
    %and3A_116 = arith.andi %and3A_113, %squeeze3A_115 : i32
    %slice3A_117 = vector.extract_strided_slice %select_n3A {offsets = [5], sizes = [1], strides = [1]} : vector<16xi32> to vector<1xi32>
    %squeeze3A_118 = vector.extract %slice3A_117[0] : i32 from vector<1xi32>
    %and3A_119 = arith.andi %and3A_116, %squeeze3A_118 : i32
    %slice3A_120 = vector.extract_strided_slice %select_n3A {offsets = [6], sizes = [1], strides = [1]} : vector<16xi32> to vector<1xi32>
    %squeeze3A_121 = vector.extract %slice3A_120[0] : i32 from vector<1xi32>
    %and3A_122 = arith.andi %and3A_119, %squeeze3A_121 : i32
    %slice3A_123 = vector.extract_strided_slice %select_n3A {offsets = [7], sizes = [1], strides = [1]} : vector<16xi32> to vector<1xi32>
    %squeeze3A_124 = vector.extract %slice3A_123[0] : i32 from vector<1xi32>
    %and3A_125 = arith.andi %and3A_122, %squeeze3A_124 : i32
    %slice3A_126 = vector.extract_strided_slice %select_n3A {offsets = [8], sizes = [1], strides = [1]} : vector<16xi32> to vector<1xi32>
    %squeeze3A_127 = vector.extract %slice3A_126[0] : i32 from vector<1xi32>
    %and3A_128 = arith.andi %and3A_125, %squeeze3A_127 : i32
    %slice3A_129 = vector.extract_strided_slice %select_n3A {offsets = [9], sizes = [1], strides = [1]} : vector<16xi32> to vector<1xi32>
    %squeeze3A_130 = vector.extract %slice3A_129[0] : i32 from vector<1xi32>
    %and3A_131 = arith.andi %and3A_128, %squeeze3A_130 : i32
    %slice3A_132 = vector.extract_strided_slice %select_n3A {offsets = [10], sizes = [1], strides = [1]} : vector<16xi32> to vector<1xi32>
    %squeeze3A_133 = vector.extract %slice3A_132[0] : i32 from vector<1xi32>
    %and3A_134 = arith.andi %and3A_131, %squeeze3A_133 : i32
    %slice3A_135 = vector.extract_strided_slice %select_n3A {offsets = [11], sizes = [1], strides = [1]} : vector<16xi32> to vector<1xi32>
    %squeeze3A_136 = vector.extract %slice3A_135[0] : i32 from vector<1xi32>
    %and3A_137 = arith.andi %and3A_134, %squeeze3A_136 : i32
    %slice3A_138 = vector.extract_strided_slice %select_n3A {offsets = [12], sizes = [1], strides = [1]} : vector<16xi32> to vector<1xi32>
    %squeeze3A_139 = vector.extract %slice3A_138[0] : i32 from vector<1xi32>
    %and3A_140 = arith.andi %and3A_137, %squeeze3A_139 : i32
    %slice3A_141 = vector.extract_strided_slice %select_n3A {offsets = [13], sizes = [1], strides = [1]} : vector<16xi32> to vector<1xi32>
    %squeeze3A_142 = vector.extract %slice3A_141[0] : i32 from vector<1xi32>
    %and3A_143 = arith.andi %and3A_140, %squeeze3A_142 : i32
    %slice3A_144 = vector.extract_strided_slice %select_n3A {offsets = [14], sizes = [1], strides = [1]} : vector<16xi32> to vector<1xi32>
    %squeeze3A_145 = vector.extract %slice3A_144[0] : i32 from vector<1xi32>
    %and3A_146 = arith.andi %and3A_143, %squeeze3A_145 : i32
    %slice3A_147 = vector.extract_strided_slice %select_n3A {offsets = [15], sizes = [1], strides = [1]} : vector<16xi32> to vector<1xi32>
    %squeeze3A_148 = vector.extract %slice3A_147[0] : i32 from vector<1xi32>
    %and3A_149 = arith.andi %and3A_146, %squeeze3A_148 : i32
    %eq3A_150 = arith.constant 1 : i32
    %eq3A_151 = arith.cmpi eq, %and3A_149, %eq3A_150 : i32
    %convert_element_type3A = arith.extui %eq3A_151 : i1 to i32
    %cond3A = arith.constant 0 : i32
    %cond3A_152 = arith.cmpi ne, %convert_element_type3A, %cond3A : i32
    scf.if %cond3A_152 {
      %multiple_of3A_157 = tpu.assume_multiple %squeeze3A, 128 : i32
      %multiple_of3A_158 = tpu.assume_multiple %mul3A_2, 8 : i32
      %add3A_159 = arith.constant 64 : i32
      %add3A_160 = arith.addi %mul3A_2, %add3A_159 : i32
      %multiple_of3A_161 = tpu.assume_multiple %add3A_160, 8 : i32
      %dma_start3A = arith.constant 0 : i32
      %dma_start3A_162 = arith.constant 0 : i32
      %dma_start3A_163 = tpu.memref_slice %arg8[%dma_start3A, %dma_start3A_162] : memref<128x128xf32, #tpu.memory_space<vmem>> -> memref<64x128xf32, #tpu.memory_space<vmem>>
      %dma_start3A_164 = tpu.memref_slice %arg2[%multiple_of3A_158, %multiple_of3A_157] : memref<4096x16384xf32, #tpu.memory_space<hbm>> -> memref<64x128xf32, #tpu.memory_space<hbm>>
      %dma_start3A_165 = arith.constant 0 : i32
      %dma_start3A_166 = arith.constant 0 : i32
      %dma_start3A_167 = tpu.memref_slice %arg8[%dma_start3A_165, %dma_start3A_166] : memref<128x128xf32, #tpu.memory_space<vmem>> -> memref<64x128xf32, #tpu.memory_space<vmem>>
      %dma_start3A_168 = tpu.memref_slice %arg2[%multiple_of3A_158, %multiple_of3A_157] : memref<4096x16384xf32, #tpu.memory_space<hbm>> -> memref<64x128xf32, #tpu.memory_space<hbm>>
      tpu.enqueue_dma source(%dma_start3A_168 : memref<64x128xf32, #tpu.memory_space<hbm>>) target(%dma_start3A_167 : memref<64x128xf32, #tpu.memory_space<vmem>>) target_semaphore(%arg9 : memref<!tpu.dma_semaphore, #tpu.memory_space<semaphore_mem>>)
      %dma_start3A_169 = arith.constant 64 : i32
      %dma_start3A_170 = arith.constant 0 : i32
      %dma_start3A_171 = tpu.memref_slice %arg8[%dma_start3A_169, %dma_start3A_170] : memref<128x128xf32, #tpu.memory_space<vmem>> -> memref<64x128xf32, #tpu.memory_space<vmem>>
      %dma_start3A_172 = tpu.memref_slice %arg2[%multiple_of3A_161, %multiple_of3A_157] : memref<4096x16384xf32, #tpu.memory_space<hbm>> -> memref<64x128xf32, #tpu.memory_space<hbm>>
      %dma_start3A_173 = arith.constant 64 : i32
      %dma_start3A_174 = arith.constant 0 : i32
      %dma_start3A_175 = tpu.memref_slice %arg8[%dma_start3A_173, %dma_start3A_174] : memref<128x128xf32, #tpu.memory_space<vmem>> -> memref<64x128xf32, #tpu.memory_space<vmem>>
      %dma_start3A_176 = tpu.memref_slice %arg2[%multiple_of3A_161, %multiple_of3A_157] : memref<4096x16384xf32, #tpu.memory_space<hbm>> -> memref<64x128xf32, #tpu.memory_space<hbm>>
      tpu.enqueue_dma source(%dma_start3A_176 : memref<64x128xf32, #tpu.memory_space<hbm>>) target(%dma_start3A_175 : memref<64x128xf32, #tpu.memory_space<vmem>>) target_semaphore(%arg10 : memref<!tpu.dma_semaphore, #tpu.memory_space<semaphore_mem>>)
      %dma_wait3A = arith.constant 0 : i32
      %dma_wait3A_177 = arith.constant 0 : i32
      %dma_wait3A_178 = tpu.memref_slice %arg8[%dma_wait3A, %dma_wait3A_177] : memref<128x128xf32, #tpu.memory_space<vmem>> -> memref<64x128xf32, #tpu.memory_space<vmem>>
      %dma_wait3A_179 = tpu.memref_slice %arg2[%multiple_of3A_158, %multiple_of3A_157] : memref<4096x16384xf32, #tpu.memory_space<hbm>> -> memref<64x128xf32, #tpu.memory_space<hbm>>
      %dma_wait3A_180 = arith.constant 0 : i32
      %dma_wait3A_181 = arith.constant 0 : i32
      %dma_wait3A_182 = tpu.memref_slice %arg8[%dma_wait3A_180, %dma_wait3A_181] : memref<128x128xf32, #tpu.memory_space<vmem>> -> memref<64x128xf32, #tpu.memory_space<vmem>>
      %dma_wait3A_183 = tpu.memref_slice %arg2[%multiple_of3A_158, %multiple_of3A_157] : memref<4096x16384xf32, #tpu.memory_space<hbm>> -> memref<64x128xf32, #tpu.memory_space<hbm>>
      tpu.wait_dma2 semaphore(%arg9 : memref<!tpu.dma_semaphore, #tpu.memory_space<semaphore_mem>>) src(%dma_wait3A_183 : memref<64x128xf32, #tpu.memory_space<hbm>>) dst(%dma_wait3A_182 : memref<64x128xf32, #tpu.memory_space<vmem>>)
      %dma_start3A_184 = arith.constant 0 : i32
      %dma_start3A_185 = arith.constant 0 : i32
      %dma_start3A_186 = tpu.memref_slice %arg8[%dma_start3A_184, %dma_start3A_185] : memref<128x128xf32, #tpu.memory_space<vmem>> -> memref<64x128xf32, #tpu.memory_space<vmem>>
      %dma_start3A_187 = arith.constant 0 : i32
      %dma_start3A_188 = tpu.memref_slice %arg4[%multiple_of3A_158, %dma_start3A_187] : memref<4096x128xf32, #tpu.memory_space<hbm>> -> memref<64x128xf32, #tpu.memory_space<hbm>>
      %dma_start3A_189 = arith.constant 0 : i32
      %dma_start3A_190 = tpu.memref_slice %arg4[%multiple_of3A_158, %dma_start3A_189] : memref<4096x128xf32, #tpu.memory_space<hbm>> -> memref<64x128xf32, #tpu.memory_space<hbm>>
      %dma_start3A_191 = arith.constant 0 : i32
      %dma_start3A_192 = arith.constant 0 : i32
      %dma_start3A_193 = tpu.memref_slice %arg8[%dma_start3A_191, %dma_start3A_192] : memref<128x128xf32, #tpu.memory_space<vmem>> -> memref<64x128xf32, #tpu.memory_space<vmem>>
      tpu.enqueue_dma source(%dma_start3A_193 : memref<64x128xf32, #tpu.memory_space<vmem>>) target(%dma_start3A_190 : memref<64x128xf32, #tpu.memory_space<hbm>>) target_semaphore(%arg9 : memref<!tpu.dma_semaphore, #tpu.memory_space<semaphore_mem>>)
      %dma_wait3A_194 = arith.constant 64 : i32
      %dma_wait3A_195 = arith.constant 0 : i32
      %dma_wait3A_196 = tpu.memref_slice %arg8[%dma_wait3A_194, %dma_wait3A_195] : memref<128x128xf32, #tpu.memory_space<vmem>> -> memref<64x128xf32, #tpu.memory_space<vmem>>
      %dma_wait3A_197 = tpu.memref_slice %arg2[%multiple_of3A_161, %multiple_of3A_157] : memref<4096x16384xf32, #tpu.memory_space<hbm>> -> memref<64x128xf32, #tpu.memory_space<hbm>>
      %dma_wait3A_198 = arith.constant 64 : i32
      %dma_wait3A_199 = arith.constant 0 : i32
      %dma_wait3A_200 = tpu.memref_slice %arg8[%dma_wait3A_198, %dma_wait3A_199] : memref<128x128xf32, #tpu.memory_space<vmem>> -> memref<64x128xf32, #tpu.memory_space<vmem>>
      %dma_wait3A_201 = tpu.memref_slice %arg2[%multiple_of3A_161, %multiple_of3A_157] : memref<4096x16384xf32, #tpu.memory_space<hbm>> -> memref<64x128xf32, #tpu.memory_space<hbm>>
      tpu.wait_dma2 semaphore(%arg10 : memref<!tpu.dma_semaphore, #tpu.memory_space<semaphore_mem>>) src(%dma_wait3A_201 : memref<64x128xf32, #tpu.memory_space<hbm>>) dst(%dma_wait3A_200 : memref<64x128xf32, #tpu.memory_space<vmem>>)
      %dma_start3A_202 = arith.constant 64 : i32
      %dma_start3A_203 = arith.constant 0 : i32
      %dma_start3A_204 = tpu.memref_slice %arg8[%dma_start3A_202, %dma_start3A_203] : memref<128x128xf32, #tpu.memory_space<vmem>> -> memref<64x128xf32, #tpu.memory_space<vmem>>
      %dma_start3A_205 = arith.constant 0 : i32
      %dma_start3A_206 = tpu.memref_slice %arg4[%multiple_of3A_161, %dma_start3A_205] : memref<4096x128xf32, #tpu.memory_space<hbm>> -> memref<64x128xf32, #tpu.memory_space<hbm>>
      %dma_start3A_207 = arith.constant 0 : i32
      %dma_start3A_208 = tpu.memref_slice %arg4[%multiple_of3A_161, %dma_start3A_207] : memref<4096x128xf32, #tpu.memory_space<hbm>> -> memref<64x128xf32, #tpu.memory_space<hbm>>
      %dma_start3A_209 = arith.constant 64 : i32
      %dma_start3A_210 = arith.constant 0 : i32
      %dma_start3A_211 = tpu.memref_slice %arg8[%dma_start3A_209, %dma_start3A_210] : memref<128x128xf32, #tpu.memory_space<vmem>> -> memref<64x128xf32, #tpu.memory_space<vmem>>
      tpu.enqueue_dma source(%dma_start3A_211 : memref<64x128xf32, #tpu.memory_space<vmem>>) target(%dma_start3A_208 : memref<64x128xf32, #tpu.memory_space<hbm>>) target_semaphore(%arg10 : memref<!tpu.dma_semaphore, #tpu.memory_space<semaphore_mem>>)
      %dma_wait3A_212 = arith.constant 0 : i32
      %dma_wait3A_213 = arith.constant 0 : i32
      %dma_wait3A_214 = tpu.memref_slice %arg8[%dma_wait3A_212, %dma_wait3A_213] : memref<128x128xf32, #tpu.memory_space<vmem>> -> memref<64x128xf32, #tpu.memory_space<vmem>>
      %dma_wait3A_215 = tpu.memref_slice %arg2[%multiple_of3A_158, %multiple_of3A_157] : memref<4096x16384xf32, #tpu.memory_space<hbm>> -> memref<64x128xf32, #tpu.memory_space<hbm>>
      %dma_wait3A_216 = arith.constant 0 : i32
      %dma_wait3A_217 = arith.constant 0 : i32
      %dma_wait3A_218 = tpu.memref_slice %arg8[%dma_wait3A_216, %dma_wait3A_217] : memref<128x128xf32, #tpu.memory_space<vmem>> -> memref<64x128xf32, #tpu.memory_space<vmem>>
      %dma_wait3A_219 = tpu.memref_slice %arg2[%multiple_of3A_158, %multiple_of3A_157] : memref<4096x16384xf32, #tpu.memory_space<hbm>> -> memref<64x128xf32, #tpu.memory_space<hbm>>
      tpu.wait_dma2 semaphore(%arg9 : memref<!tpu.dma_semaphore, #tpu.memory_space<semaphore_mem>>) src(%dma_wait3A_219 : memref<64x128xf32, #tpu.memory_space<hbm>>) dst(%dma_wait3A_218 : memref<64x128xf32, #tpu.memory_space<vmem>>)
      %dma_wait3A_220 = arith.constant 64 : i32
      %dma_wait3A_221 = arith.constant 0 : i32
      %dma_wait3A_222 = tpu.memref_slice %arg8[%dma_wait3A_220, %dma_wait3A_221] : memref<128x128xf32, #tpu.memory_space<vmem>> -> memref<64x128xf32, #tpu.memory_space<vmem>>
      %dma_wait3A_223 = tpu.memref_slice %arg2[%multiple_of3A_161, %multiple_of3A_157] : memref<4096x16384xf32, #tpu.memory_space<hbm>> -> memref<64x128xf32, #tpu.memory_space<hbm>>
      %dma_wait3A_224 = arith.constant 64 : i32
      %dma_wait3A_225 = arith.constant 0 : i32
      %dma_wait3A_226 = tpu.memref_slice %arg8[%dma_wait3A_224, %dma_wait3A_225] : memref<128x128xf32, #tpu.memory_space<vmem>> -> memref<64x128xf32, #tpu.memory_space<vmem>>
      %dma_wait3A_227 = tpu.memref_slice %arg2[%multiple_of3A_161, %multiple_of3A_157] : memref<4096x16384xf32, #tpu.memory_space<hbm>> -> memref<64x128xf32, #tpu.memory_space<hbm>>
      tpu.wait_dma2 semaphore(%arg10 : memref<!tpu.dma_semaphore, #tpu.memory_space<semaphore_mem>>) src(%dma_wait3A_227 : memref<64x128xf32, #tpu.memory_space<hbm>>) dst(%dma_wait3A_226 : memref<64x128xf32, #tpu.memory_space<vmem>>)
    } else {
    }
    %not3A = arith.constant true
    %not3A_153 = arith.xori %eq3A_151, %not3A : i1
    %convert_element_type3A_154 = arith.extui %not3A_153 : i1 to i32
    %cond3A_155 = arith.constant 0 : i32
    %cond3A_156 = arith.cmpi ne, %convert_element_type3A_154, %cond3A_155 : i32
    scf.if %cond3A_156 {
      %scan3A = arith.constant 0 : i32
      %scan3A_157 = arith.constant 0 : i32
      %scan3A_158 = arith.constant 16 : i32
      %scan3A_159 = arith.addi %scan3A_157, %scan3A_158 : i32
      %scan3A_160 = arith.constant 1 : i32
      scf.for %scan3A_169 = %scan3A_157 to %scan3A_159 step %scan3A_160  : i32 {
        %mul3A_170 = arith.constant 8 : i32
        %mul3A_171 = arith.muli %scan3A_169, %mul3A_170 : i32
        %multiple_of3A_172 = tpu.assume_multiple %mul3A_171, 8 : i32
        %add3A_173 = arith.addi %mul3A_2, %multiple_of3A_172 : i32
        %multiple_of3A_174 = tpu.assume_multiple %add3A_173, 8 : i32
        %get3A_175 = arith.index_cast %multiple_of3A_172 : i32 to index
        %get3A_176 = tpu.vector_load %arg5[%get3A_175] {strides = array<i32>} : memref<144xi32, #tpu.memory_space<vmem>>, vector<16xi32>,
        %get3A_177 = vector.shape_cast %get3A_176 : vector<16xi32> to vector<16xi32>
        %abs3A_178 = math.absi %get3A_177 : vector<16xi32>
        %sub3A_179 = arith.constant 1 : i32
        %sub3A_180 = vector.broadcast %sub3A_179 : i32 to vector<16xi32>
        %sub3A_181 = arith.subi %abs3A_178, %sub3A_180 : vector<16xi32>
        %mul3A_182 = arith.constant 128 : i32
        %mul3A_183 = vector.broadcast %mul3A_182 : i32 to vector<16xi32>
        %mul3A_184 = arith.muli %sub3A_181, %mul3A_183 : vector<16xi32>
        %slice3A_185 = vector.extract_strided_slice %mul3A_184 {offsets = [0], sizes = [1], strides = [1]} : vector<16xi32> to vector<1xi32>
        %squeeze3A_186 = vector.extract %slice3A_185[0] : i32 from vector<1xi32>
        %slice3A_187 = vector.extract_strided_slice %mul3A_184 {offsets = [1], sizes = [1], strides = [1]} : vector<16xi32> to vector<1xi32>
        %squeeze3A_188 = vector.extract %slice3A_187[0] : i32 from vector<1xi32>
        %slice3A_189 = vector.extract_strided_slice %mul3A_184 {offsets = [2], sizes = [1], strides = [1]} : vector<16xi32> to vector<1xi32>
        %squeeze3A_190 = vector.extract %slice3A_189[0] : i32 from vector<1xi32>
        %slice3A_191 = vector.extract_strided_slice %mul3A_184 {offsets = [3], sizes = [1], strides = [1]} : vector<16xi32> to vector<1xi32>
        %squeeze3A_192 = vector.extract %slice3A_191[0] : i32 from vector<1xi32>
        %slice3A_193 = vector.extract_strided_slice %mul3A_184 {offsets = [4], sizes = [1], strides = [1]} : vector<16xi32> to vector<1xi32>
        %squeeze3A_194 = vector.extract %slice3A_193[0] : i32 from vector<1xi32>
        %slice3A_195 = vector.extract_strided_slice %mul3A_184 {offsets = [5], sizes = [1], strides = [1]} : vector<16xi32> to vector<1xi32>
        %squeeze3A_196 = vector.extract %slice3A_195[0] : i32 from vector<1xi32>
        %slice3A_197 = vector.extract_strided_slice %mul3A_184 {offsets = [6], sizes = [1], strides = [1]} : vector<16xi32> to vector<1xi32>
        %squeeze3A_198 = vector.extract %slice3A_197[0] : i32 from vector<1xi32>
        %slice3A_199 = vector.extract_strided_slice %mul3A_184 {offsets = [7], sizes = [1], strides = [1]} : vector<16xi32> to vector<1xi32>
        %squeeze3A_200 = vector.extract %slice3A_199[0] : i32 from vector<1xi32>
        %eq3A_201 = arith.cmpi eq, %squeeze3A_186, %squeeze3A_188 : i32
        %jit3A_202 = arith.constant 1 : i32
        %jit3A_203 = arith.constant 0 : i32
        %select_n3A_204 = arith.select %eq3A_201, %jit3A_202, %jit3A_203 : i32
        %and3A_205 = arith.constant 1 : i32
        %and3A_206 = arith.andi %and3A_205, %select_n3A_204 : i32
        %eq3A_207 = arith.cmpi eq, %squeeze3A_186, %squeeze3A_190 : i32
        %jit3A_208 = arith.constant 1 : i32
        %jit3A_209 = arith.constant 0 : i32
        %select_n3A_210 = arith.select %eq3A_207, %jit3A_208, %jit3A_209 : i32
        %and3A_211 = arith.andi %and3A_206, %select_n3A_210 : i32
        %eq3A_212 = arith.cmpi eq, %squeeze3A_186, %squeeze3A_192 : i32
        %jit3A_213 = arith.constant 1 : i32
        %jit3A_214 = arith.constant 0 : i32
        %select_n3A_215 = arith.select %eq3A_212, %jit3A_213, %jit3A_214 : i32
        %and3A_216 = arith.andi %and3A_211, %select_n3A_215 : i32
        %eq3A_217 = arith.cmpi eq, %squeeze3A_186, %squeeze3A_194 : i32
        %jit3A_218 = arith.constant 1 : i32
        %jit3A_219 = arith.constant 0 : i32
        %select_n3A_220 = arith.select %eq3A_217, %jit3A_218, %jit3A_219 : i32
        %and3A_221 = arith.andi %and3A_216, %select_n3A_220 : i32
        %eq3A_222 = arith.cmpi eq, %squeeze3A_186, %squeeze3A_196 : i32
        %jit3A_223 = arith.constant 1 : i32
        %jit3A_224 = arith.constant 0 : i32
        %select_n3A_225 = arith.select %eq3A_222, %jit3A_223, %jit3A_224 : i32
        %and3A_226 = arith.andi %and3A_221, %select_n3A_225 : i32
        %eq3A_227 = arith.cmpi eq, %squeeze3A_186, %squeeze3A_198 : i32
        %jit3A_228 = arith.constant 1 : i32
        %jit3A_229 = arith.constant 0 : i32
        %select_n3A_230 = arith.select %eq3A_227, %jit3A_228, %jit3A_229 : i32
        %and3A_231 = arith.andi %and3A_226, %select_n3A_230 : i32
        %eq3A_232 = arith.cmpi eq, %squeeze3A_186, %squeeze3A_200 : i32
        %jit3A_233 = arith.constant 1 : i32
        %jit3A_234 = arith.constant 0 : i32
        %select_n3A_235 = arith.select %eq3A_232, %jit3A_233, %jit3A_234 : i32
        %and3A_236 = arith.andi %and3A_231, %select_n3A_235 : i32
        %eq3A_237 = arith.constant 1 : i32
        %eq3A_238 = arith.cmpi eq, %and3A_236, %eq3A_237 : i32
        %convert_element_type3A_239 = arith.extui %eq3A_238 : i1 to i32
        %cond3A_240 = arith.constant 0 : i32
        %cond3A_241 = arith.cmpi ne, %convert_element_type3A_239, %cond3A_240 : i32
        scf.if %cond3A_241 {
          %multiple_of3A_246 = tpu.assume_multiple %squeeze3A_186, 128 : i32
          %dma_start3A = arith.constant 0 : i32
          %dma_start3A_247 = tpu.memref_slice %arg8[%multiple_of3A_172, %dma_start3A] : memref<128x128xf32, #tpu.memory_space<vmem>> -> memref<8x128xf32, #tpu.memory_space<vmem>>
          %dma_start3A_248 = tpu.memref_slice %arg2[%multiple_of3A_174, %multiple_of3A_246] : memref<4096x16384xf32, #tpu.memory_space<hbm>> -> memref<8x128xf32, #tpu.memory_space<hbm>>
          %dma_start3A_249 = arith.constant 0 : i32
          %dma_start3A_250 = tpu.memref_slice %arg8[%multiple_of3A_172, %dma_start3A_249] : memref<128x128xf32, #tpu.memory_space<vmem>> -> memref<8x128xf32, #tpu.memory_space<vmem>>
          %dma_start3A_251 = tpu.memref_slice %arg2[%multiple_of3A_174, %multiple_of3A_246] : memref<4096x16384xf32, #tpu.memory_space<hbm>> -> memref<8x128xf32, #tpu.memory_space<hbm>>
          tpu.enqueue_dma source(%dma_start3A_251 : memref<8x128xf32, #tpu.memory_space<hbm>>) target(%dma_start3A_250 : memref<8x128xf32, #tpu.memory_space<vmem>>) target_semaphore(%arg9 : memref<!tpu.dma_semaphore, #tpu.memory_space<semaphore_mem>>)
        } else {
        }
        %ne3A = arith.constant 1 : i32
        %ne3A_242 = arith.cmpi ne, %and3A_236, %ne3A : i32
        %convert_element_type3A_243 = arith.extui %ne3A_242 : i1 to i32
        %cond3A_244 = arith.constant 0 : i32
        %cond3A_245 = arith.cmpi ne, %convert_element_type3A_243, %cond3A_244 : i32
        scf.if %cond3A_245 {
          %multiple_of3A_246 = tpu.assume_multiple %squeeze3A_186, 128 : i32
          %dma_start3A = arith.constant 0 : i32
          %dma_start3A_247 = arith.constant 0 : i32
          %dma_start3A_248 = arith.constant 0 : i32
          %dma_start3A_249 = tpu.memref_slice %arg6[%dma_start3A, %dma_start3A_247, %dma_start3A_248] : memref<8x8x128xf32, #tpu.memory_space<vmem>> -> memref<1x8x128xf32, #tpu.memory_space<vmem>>
          %dma_start3A_250 = tpu.memref_squeeze %dma_start3A_249 : memref<1x8x128xf32, #tpu.memory_space<vmem>> -> memref<8x128xf32, #tpu.memory_space<vmem>>
          %dma_start3A_251 = tpu.memref_slice %arg2[%multiple_of3A_174, %multiple_of3A_246] : memref<4096x16384xf32, #tpu.memory_space<hbm>> -> memref<8x128xf32, #tpu.memory_space<hbm>>
          %dma_start3A_252 = arith.constant 0 : i32
          %dma_start3A_253 = arith.constant 0 : i32
          %dma_start3A_254 = tpu.memref_slice %arg6[%dma_start3A, %dma_start3A_252, %dma_start3A_253] : memref<8x8x128xf32, #tpu.memory_space<vmem>> -> memref<1x8x128xf32, #tpu.memory_space<vmem>>
          %dma_start3A_255 = tpu.memref_squeeze %dma_start3A_254 : memref<1x8x128xf32, #tpu.memory_space<vmem>> -> memref<8x128xf32, #tpu.memory_space<vmem>>
          %dma_start3A_256 = tpu.memref_slice %arg2[%multiple_of3A_174, %multiple_of3A_246] : memref<4096x16384xf32, #tpu.memory_space<hbm>> -> memref<8x128xf32, #tpu.memory_space<hbm>>
          tpu.enqueue_dma source(%dma_start3A_256 : memref<8x128xf32, #tpu.memory_space<hbm>>) target(%dma_start3A_255 : memref<8x128xf32, #tpu.memory_space<vmem>>) target_semaphore(%arg10 : memref<!tpu.dma_semaphore, #tpu.memory_space<semaphore_mem>>)
          %multiple_of3A_257 = tpu.assume_multiple %squeeze3A_188, 128 : i32
          %dma_start3A_258 = arith.constant 1 : i32
          %dma_start3A_259 = arith.constant 0 : i32
          %dma_start3A_260 = arith.constant 0 : i32
          %dma_start3A_261 = tpu.memref_slice %arg6[%dma_start3A_258, %dma_start3A_259, %dma_start3A_260] : memref<8x8x128xf32, #tpu.memory_space<vmem>> -> memref<1x8x128xf32, #tpu.memory_space<vmem>>
          %dma_start3A_262 = tpu.memref_squeeze %dma_start3A_261 : memref<1x8x128xf32, #tpu.memory_space<vmem>> -> memref<8x128xf32, #tpu.memory_space<vmem>>
          %dma_start3A_263 = tpu.memref_slice %arg2[%multiple_of3A_174, %multiple_of3A_257] : memref<4096x16384xf32, #tpu.memory_space<hbm>> -> memref<8x128xf32, #tpu.memory_space<hbm>>
          %dma_start3A_264 = arith.constant 0 : i32
          %dma_start3A_265 = arith.constant 0 : i32
          %dma_start3A_266 = tpu.memref_slice %arg6[%dma_start3A_258, %dma_start3A_264, %dma_start3A_265] : memref<8x8x128xf32, #tpu.memory_space<vmem>> -> memref<1x8x128xf32, #tpu.memory_space<vmem>>
          %dma_start3A_267 = tpu.memref_squeeze %dma_start3A_266 : memref<1x8x128xf32, #tpu.memory_space<vmem>> -> memref<8x128xf32, #tpu.memory_space<vmem>>
          %dma_start3A_268 = tpu.memref_slice %arg2[%multiple_of3A_174, %multiple_of3A_257] : memref<4096x16384xf32, #tpu.memory_space<hbm>> -> memref<8x128xf32, #tpu.memory_space<hbm>>
          tpu.enqueue_dma source(%dma_start3A_268 : memref<8x128xf32, #tpu.memory_space<hbm>>) target(%dma_start3A_267 : memref<8x128xf32, #tpu.memory_space<vmem>>) target_semaphore(%arg10 : memref<!tpu.dma_semaphore, #tpu.memory_space<semaphore_mem>>)
          %multiple_of3A_269 = tpu.assume_multiple %squeeze3A_190, 128 : i32
          %dma_start3A_270 = arith.constant 2 : i32
          %dma_start3A_271 = arith.constant 0 : i32
          %dma_start3A_272 = arith.constant 0 : i32
          %dma_start3A_273 = tpu.memref_slice %arg6[%dma_start3A_270, %dma_start3A_271, %dma_start3A_272] : memref<8x8x128xf32, #tpu.memory_space<vmem>> -> memref<1x8x128xf32, #tpu.memory_space<vmem>>
          %dma_start3A_274 = tpu.memref_squeeze %dma_start3A_273 : memref<1x8x128xf32, #tpu.memory_space<vmem>> -> memref<8x128xf32, #tpu.memory_space<vmem>>
          %dma_start3A_275 = tpu.memref_slice %arg2[%multiple_of3A_174, %multiple_of3A_269] : memref<4096x16384xf32, #tpu.memory_space<hbm>> -> memref<8x128xf32, #tpu.memory_space<hbm>>
          %dma_start3A_276 = arith.constant 0 : i32
          %dma_start3A_277 = arith.constant 0 : i32
          %dma_start3A_278 = tpu.memref_slice %arg6[%dma_start3A_270, %dma_start3A_276, %dma_start3A_277] : memref<8x8x128xf32, #tpu.memory_space<vmem>> -> memref<1x8x128xf32, #tpu.memory_space<vmem>>
          %dma_start3A_279 = tpu.memref_squeeze %dma_start3A_278 : memref<1x8x128xf32, #tpu.memory_space<vmem>> -> memref<8x128xf32, #tpu.memory_space<vmem>>
          %dma_start3A_280 = tpu.memref_slice %arg2[%multiple_of3A_174, %multiple_of3A_269] : memref<4096x16384xf32, #tpu.memory_space<hbm>> -> memref<8x128xf32, #tpu.memory_space<hbm>>
          tpu.enqueue_dma source(%dma_start3A_280 : memref<8x128xf32, #tpu.memory_space<hbm>>) target(%dma_start3A_279 : memref<8x128xf32, #tpu.memory_space<vmem>>) target_semaphore(%arg10 : memref<!tpu.dma_semaphore, #tpu.memory_space<semaphore_mem>>)
          %multiple_of3A_281 = tpu.assume_multiple %squeeze3A_192, 128 : i32
          %dma_start3A_282 = arith.constant 3 : i32
          %dma_start3A_283 = arith.constant 0 : i32
          %dma_start3A_284 = arith.constant 0 : i32
          %dma_start3A_285 = tpu.memref_slice %arg6[%dma_start3A_282, %dma_start3A_283, %dma_start3A_284] : memref<8x8x128xf32, #tpu.memory_space<vmem>> -> memref<1x8x128xf32, #tpu.memory_space<vmem>>
          %dma_start3A_286 = tpu.memref_squeeze %dma_start3A_285 : memref<1x8x128xf32, #tpu.memory_space<vmem>> -> memref<8x128xf32, #tpu.memory_space<vmem>>
          %dma_start3A_287 = tpu.memref_slice %arg2[%multiple_of3A_174, %multiple_of3A_281] : memref<4096x16384xf32, #tpu.memory_space<hbm>> -> memref<8x128xf32, #tpu.memory_space<hbm>>
          %dma_start3A_288 = arith.constant 0 : i32
          %dma_start3A_289 = arith.constant 0 : i32
          %dma_start3A_290 = tpu.memref_slice %arg6[%dma_start3A_282, %dma_start3A_288, %dma_start3A_289] : memref<8x8x128xf32, #tpu.memory_space<vmem>> -> memref<1x8x128xf32, #tpu.memory_space<vmem>>
          %dma_start3A_291 = tpu.memref_squeeze %dma_start3A_290 : memref<1x8x128xf32, #tpu.memory_space<vmem>> -> memref<8x128xf32, #tpu.memory_space<vmem>>
          %dma_start3A_292 = tpu.memref_slice %arg2[%multiple_of3A_174, %multiple_of3A_281] : memref<4096x16384xf32, #tpu.memory_space<hbm>> -> memref<8x128xf32, #tpu.memory_space<hbm>>
          tpu.enqueue_dma source(%dma_start3A_292 : memref<8x128xf32, #tpu.memory_space<hbm>>) target(%dma_start3A_291 : memref<8x128xf32, #tpu.memory_space<vmem>>) target_semaphore(%arg10 : memref<!tpu.dma_semaphore, #tpu.memory_space<semaphore_mem>>)
          %multiple_of3A_293 = tpu.assume_multiple %squeeze3A_194, 128 : i32
          %dma_start3A_294 = arith.constant 4 : i32
          %dma_start3A_295 = arith.constant 0 : i32
          %dma_start3A_296 = arith.constant 0 : i32
          %dma_start3A_297 = tpu.memref_slice %arg6[%dma_start3A_294, %dma_start3A_295, %dma_start3A_296] : memref<8x8x128xf32, #tpu.memory_space<vmem>> -> memref<1x8x128xf32, #tpu.memory_space<vmem>>
          %dma_start3A_298 = tpu.memref_squeeze %dma_start3A_297 : memref<1x8x128xf32, #tpu.memory_space<vmem>> -> memref<8x128xf32, #tpu.memory_space<vmem>>
          %dma_start3A_299 = tpu.memref_slice %arg2[%multiple_of3A_174, %multiple_of3A_293] : memref<4096x16384xf32, #tpu.memory_space<hbm>> -> memref<8x128xf32, #tpu.memory_space<hbm>>
          %dma_start3A_300 = arith.constant 0 : i32
          %dma_start3A_301 = arith.constant 0 : i32
          %dma_start3A_302 = tpu.memref_slice %arg6[%dma_start3A_294, %dma_start3A_300, %dma_start3A_301] : memref<8x8x128xf32, #tpu.memory_space<vmem>> -> memref<1x8x128xf32, #tpu.memory_space<vmem>>
          %dma_start3A_303 = tpu.memref_squeeze %dma_start3A_302 : memref<1x8x128xf32, #tpu.memory_space<vmem>> -> memref<8x128xf32, #tpu.memory_space<vmem>>
          %dma_start3A_304 = tpu.memref_slice %arg2[%multiple_of3A_174, %multiple_of3A_293] : memref<4096x16384xf32, #tpu.memory_space<hbm>> -> memref<8x128xf32, #tpu.memory_space<hbm>>
          tpu.enqueue_dma source(%dma_start3A_304 : memref<8x128xf32, #tpu.memory_space<hbm>>) target(%dma_start3A_303 : memref<8x128xf32, #tpu.memory_space<vmem>>) target_semaphore(%arg10 : memref<!tpu.dma_semaphore, #tpu.memory_space<semaphore_mem>>)
          %multiple_of3A_305 = tpu.assume_multiple %squeeze3A_196, 128 : i32
          %dma_start3A_306 = arith.constant 5 : i32
          %dma_start3A_307 = arith.constant 0 : i32
          %dma_start3A_308 = arith.constant 0 : i32
          %dma_start3A_309 = tpu.memref_slice %arg6[%dma_start3A_306, %dma_start3A_307, %dma_start3A_308] : memref<8x8x128xf32, #tpu.memory_space<vmem>> -> memref<1x8x128xf32, #tpu.memory_space<vmem>>
          %dma_start3A_310 = tpu.memref_squeeze %dma_start3A_309 : memref<1x8x128xf32, #tpu.memory_space<vmem>> -> memref<8x128xf32, #tpu.memory_space<vmem>>
          %dma_start3A_311 = tpu.memref_slice %arg2[%multiple_of3A_174, %multiple_of3A_305] : memref<4096x16384xf32, #tpu.memory_space<hbm>> -> memref<8x128xf32, #tpu.memory_space<hbm>>
          %dma_start3A_312 = arith.constant 0 : i32
          %dma_start3A_313 = arith.constant 0 : i32
          %dma_start3A_314 = tpu.memref_slice %arg6[%dma_start3A_306, %dma_start3A_312, %dma_start3A_313] : memref<8x8x128xf32, #tpu.memory_space<vmem>> -> memref<1x8x128xf32, #tpu.memory_space<vmem>>
          %dma_start3A_315 = tpu.memref_squeeze %dma_start3A_314 : memref<1x8x128xf32, #tpu.memory_space<vmem>> -> memref<8x128xf32, #tpu.memory_space<vmem>>
          %dma_start3A_316 = tpu.memref_slice %arg2[%multiple_of3A_174, %multiple_of3A_305] : memref<4096x16384xf32, #tpu.memory_space<hbm>> -> memref<8x128xf32, #tpu.memory_space<hbm>>
          tpu.enqueue_dma source(%dma_start3A_316 : memref<8x128xf32, #tpu.memory_space<hbm>>) target(%dma_start3A_315 : memref<8x128xf32, #tpu.memory_space<vmem>>) target_semaphore(%arg10 : memref<!tpu.dma_semaphore, #tpu.memory_space<semaphore_mem>>)
          %multiple_of3A_317 = tpu.assume_multiple %squeeze3A_198, 128 : i32
          %dma_start3A_318 = arith.constant 6 : i32
          %dma_start3A_319 = arith.constant 0 : i32
          %dma_start3A_320 = arith.constant 0 : i32
          %dma_start3A_321 = tpu.memref_slice %arg6[%dma_start3A_318, %dma_start3A_319, %dma_start3A_320] : memref<8x8x128xf32, #tpu.memory_space<vmem>> -> memref<1x8x128xf32, #tpu.memory_space<vmem>>
          %dma_start3A_322 = tpu.memref_squeeze %dma_start3A_321 : memref<1x8x128xf32, #tpu.memory_space<vmem>> -> memref<8x128xf32, #tpu.memory_space<vmem>>
          %dma_start3A_323 = tpu.memref_slice %arg2[%multiple_of3A_174, %multiple_of3A_317] : memref<4096x16384xf32, #tpu.memory_space<hbm>> -> memref<8x128xf32, #tpu.memory_space<hbm>>
          %dma_start3A_324 = arith.constant 0 : i32
          %dma_start3A_325 = arith.constant 0 : i32
          %dma_start3A_326 = tpu.memref_slice %arg6[%dma_start3A_318, %dma_start3A_324, %dma_start3A_325] : memref<8x8x128xf32, #tpu.memory_space<vmem>> -> memref<1x8x128xf32, #tpu.memory_space<vmem>>
          %dma_start3A_327 = tpu.memref_squeeze %dma_start3A_326 : memref<1x8x128xf32, #tpu.memory_space<vmem>> -> memref<8x128xf32, #tpu.memory_space<vmem>>
          %dma_start3A_328 = tpu.memref_slice %arg2[%multiple_of3A_174, %multiple_of3A_317] : memref<4096x16384xf32, #tpu.memory_space<hbm>> -> memref<8x128xf32, #tpu.memory_space<hbm>>
          tpu.enqueue_dma source(%dma_start3A_328 : memref<8x128xf32, #tpu.memory_space<hbm>>) target(%dma_start3A_327 : memref<8x128xf32, #tpu.memory_space<vmem>>) target_semaphore(%arg10 : memref<!tpu.dma_semaphore, #tpu.memory_space<semaphore_mem>>)
          %multiple_of3A_329 = tpu.assume_multiple %squeeze3A_200, 128 : i32
          %dma_start3A_330 = arith.constant 7 : i32
          %dma_start3A_331 = arith.constant 0 : i32
          %dma_start3A_332 = arith.constant 0 : i32
          %dma_start3A_333 = tpu.memref_slice %arg6[%dma_start3A_330, %dma_start3A_331, %dma_start3A_332] : memref<8x8x128xf32, #tpu.memory_space<vmem>> -> memref<1x8x128xf32, #tpu.memory_space<vmem>>
          %dma_start3A_334 = tpu.memref_squeeze %dma_start3A_333 : memref<1x8x128xf32, #tpu.memory_space<vmem>> -> memref<8x128xf32, #tpu.memory_space<vmem>>
          %dma_start3A_335 = tpu.memref_slice %arg2[%multiple_of3A_174, %multiple_of3A_329] : memref<4096x16384xf32, #tpu.memory_space<hbm>> -> memref<8x128xf32, #tpu.memory_space<hbm>>
          %dma_start3A_336 = arith.constant 0 : i32
          %dma_start3A_337 = arith.constant 0 : i32
          %dma_start3A_338 = tpu.memref_slice %arg6[%dma_start3A_330, %dma_start3A_336, %dma_start3A_337] : memref<8x8x128xf32, #tpu.memory_space<vmem>> -> memref<1x8x128xf32, #tpu.memory_space<vmem>>
          %dma_start3A_339 = tpu.memref_squeeze %dma_start3A_338 : memref<1x8x128xf32, #tpu.memory_space<vmem>> -> memref<8x128xf32, #tpu.memory_space<vmem>>
          %dma_start3A_340 = tpu.memref_slice %arg2[%multiple_of3A_174, %multiple_of3A_329] : memref<4096x16384xf32, #tpu.memory_space<hbm>> -> memref<8x128xf32, #tpu.memory_space<hbm>>
          tpu.enqueue_dma source(%dma_start3A_340 : memref<8x128xf32, #tpu.memory_space<hbm>>) target(%dma_start3A_339 : memref<8x128xf32, #tpu.memory_space<vmem>>) target_semaphore(%arg10 : memref<!tpu.dma_semaphore, #tpu.memory_space<semaphore_mem>>)
          %dma_wait3A = arith.constant 0 : i32
          %dma_wait3A_341 = arith.constant 0 : i32
          %dma_wait3A_342 = arith.constant 0 : i32
          %dma_wait3A_343 = tpu.memref_slice %arg6[%dma_wait3A, %dma_wait3A_341, %dma_wait3A_342] : memref<8x8x128xf32, #tpu.memory_space<vmem>> -> memref<1x8x128xf32, #tpu.memory_space<vmem>>
          %dma_wait3A_344 = tpu.memref_squeeze %dma_wait3A_343 : memref<1x8x128xf32, #tpu.memory_space<vmem>> -> memref<8x128xf32, #tpu.memory_space<vmem>>
          %dma_wait3A_345 = arith.constant 0 : i32
          %dma_wait3A_346 = arith.constant 0 : i32
          %dma_wait3A_347 = tpu.memref_slice %arg2[%dma_wait3A_345, %dma_wait3A_346] : memref<4096x16384xf32, #tpu.memory_space<hbm>> -> memref<8x128xf32, #tpu.memory_space<hbm>>
          %dma_wait3A_348 = arith.constant 0 : i32
          %dma_wait3A_349 = arith.constant 0 : i32
          %dma_wait3A_350 = tpu.memref_slice %arg6[%dma_wait3A, %dma_wait3A_348, %dma_wait3A_349] : memref<8x8x128xf32, #tpu.memory_space<vmem>> -> memref<1x8x128xf32, #tpu.memory_space<vmem>>
          %dma_wait3A_351 = tpu.memref_squeeze %dma_wait3A_350 : memref<1x8x128xf32, #tpu.memory_space<vmem>> -> memref<8x128xf32, #tpu.memory_space<vmem>>
          %dma_wait3A_352 = arith.constant 0 : i32
          %dma_wait3A_353 = arith.constant 0 : i32
          %dma_wait3A_354 = tpu.memref_slice %arg2[%dma_wait3A_352, %dma_wait3A_353] : memref<4096x16384xf32, #tpu.memory_space<hbm>> -> memref<8x128xf32, #tpu.memory_space<hbm>>
          tpu.wait_dma2 semaphore(%arg10 : memref<!tpu.dma_semaphore, #tpu.memory_space<semaphore_mem>>) src(%dma_wait3A_354 : memref<8x128xf32, #tpu.memory_space<hbm>>) dst(%dma_wait3A_351 : memref<8x128xf32, #tpu.memory_space<vmem>>)
          %dma_wait3A_355 = arith.constant 1 : i32
          %dma_wait3A_356 = arith.constant 0 : i32
          %dma_wait3A_357 = arith.constant 0 : i32
          %dma_wait3A_358 = tpu.memref_slice %arg6[%dma_wait3A_355, %dma_wait3A_356, %dma_wait3A_357] : memref<8x8x128xf32, #tpu.memory_space<vmem>> -> memref<1x8x128xf32, #tpu.memory_space<vmem>>
          %dma_wait3A_359 = tpu.memref_squeeze %dma_wait3A_358 : memref<1x8x128xf32, #tpu.memory_space<vmem>> -> memref<8x128xf32, #tpu.memory_space<vmem>>
          %dma_wait3A_360 = arith.constant 0 : i32
          %dma_wait3A_361 = arith.constant 0 : i32
          %dma_wait3A_362 = tpu.memref_slice %arg2[%dma_wait3A_360, %dma_wait3A_361] : memref<4096x16384xf32, #tpu.memory_space<hbm>> -> memref<8x128xf32, #tpu.memory_space<hbm>>
          %dma_wait3A_363 = arith.constant 0 : i32
          %dma_wait3A_364 = arith.constant 0 : i32
          %dma_wait3A_365 = tpu.memref_slice %arg6[%dma_wait3A_355, %dma_wait3A_363, %dma_wait3A_364] : memref<8x8x128xf32, #tpu.memory_space<vmem>> -> memref<1x8x128xf32, #tpu.memory_space<vmem>>
          %dma_wait3A_366 = tpu.memref_squeeze %dma_wait3A_365 : memref<1x8x128xf32, #tpu.memory_space<vmem>> -> memref<8x128xf32, #tpu.memory_space<vmem>>
          %dma_wait3A_367 = arith.constant 0 : i32
          %dma_wait3A_368 = arith.constant 0 : i32
          %dma_wait3A_369 = tpu.memref_slice %arg2[%dma_wait3A_367, %dma_wait3A_368] : memref<4096x16384xf32, #tpu.memory_space<hbm>> -> memref<8x128xf32, #tpu.memory_space<hbm>>
          tpu.wait_dma2 semaphore(%arg10 : memref<!tpu.dma_semaphore, #tpu.memory_space<semaphore_mem>>) src(%dma_wait3A_369 : memref<8x128xf32, #tpu.memory_space<hbm>>) dst(%dma_wait3A_366 : memref<8x128xf32, #tpu.memory_space<vmem>>)
          %dma_wait3A_370 = arith.constant 2 : i32
          %dma_wait3A_371 = arith.constant 0 : i32
          %dma_wait3A_372 = arith.constant 0 : i32
          %dma_wait3A_373 = tpu.memref_slice %arg6[%dma_wait3A_370, %dma_wait3A_371, %dma_wait3A_372] : memref<8x8x128xf32, #tpu.memory_space<vmem>> -> memref<1x8x128xf32, #tpu.memory_space<vmem>>
          %dma_wait3A_374 = tpu.memref_squeeze %dma_wait3A_373 : memref<1x8x128xf32, #tpu.memory_space<vmem>> -> memref<8x128xf32, #tpu.memory_space<vmem>>
          %dma_wait3A_375 = arith.constant 0 : i32
          %dma_wait3A_376 = arith.constant 0 : i32
          %dma_wait3A_377 = tpu.memref_slice %arg2[%dma_wait3A_375, %dma_wait3A_376] : memref<4096x16384xf32, #tpu.memory_space<hbm>> -> memref<8x128xf32, #tpu.memory_space<hbm>>
          %dma_wait3A_378 = arith.constant 0 : i32
          %dma_wait3A_379 = arith.constant 0 : i32
          %dma_wait3A_380 = tpu.memref_slice %arg6[%dma_wait3A_370, %dma_wait3A_378, %dma_wait3A_379] : memref<8x8x128xf32, #tpu.memory_space<vmem>> -> memref<1x8x128xf32, #tpu.memory_space<vmem>>
          %dma_wait3A_381 = tpu.memref_squeeze %dma_wait3A_380 : memref<1x8x128xf32, #tpu.memory_space<vmem>> -> memref<8x128xf32, #tpu.memory_space<vmem>>
          %dma_wait3A_382 = arith.constant 0 : i32
          %dma_wait3A_383 = arith.constant 0 : i32
          %dma_wait3A_384 = tpu.memref_slice %arg2[%dma_wait3A_382, %dma_wait3A_383] : memref<4096x16384xf32, #tpu.memory_space<hbm>> -> memref<8x128xf32, #tpu.memory_space<hbm>>
          tpu.wait_dma2 semaphore(%arg10 : memref<!tpu.dma_semaphore, #tpu.memory_space<semaphore_mem>>) src(%dma_wait3A_384 : memref<8x128xf32, #tpu.memory_space<hbm>>) dst(%dma_wait3A_381 : memref<8x128xf32, #tpu.memory_space<vmem>>)
          %dma_wait3A_385 = arith.constant 3 : i32
          %dma_wait3A_386 = arith.constant 0 : i32
          %dma_wait3A_387 = arith.constant 0 : i32
          %dma_wait3A_388 = tpu.memref_slice %arg6[%dma_wait3A_385, %dma_wait3A_386, %dma_wait3A_387] : memref<8x8x128xf32, #tpu.memory_space<vmem>> -> memref<1x8x128xf32, #tpu.memory_space<vmem>>
          %dma_wait3A_389 = tpu.memref_squeeze %dma_wait3A_388 : memref<1x8x128xf32, #tpu.memory_space<vmem>> -> memref<8x128xf32, #tpu.memory_space<vmem>>
          %dma_wait3A_390 = arith.constant 0 : i32
          %dma_wait3A_391 = arith.constant 0 : i32
          %dma_wait3A_392 = tpu.memref_slice %arg2[%dma_wait3A_390, %dma_wait3A_391] : memref<4096x16384xf32, #tpu.memory_space<hbm>> -> memref<8x128xf32, #tpu.memory_space<hbm>>
          %dma_wait3A_393 = arith.constant 0 : i32
          %dma_wait3A_394 = arith.constant 0 : i32
          %dma_wait3A_395 = tpu.memref_slice %arg6[%dma_wait3A_385, %dma_wait3A_393, %dma_wait3A_394] : memref<8x8x128xf32, #tpu.memory_space<vmem>> -> memref<1x8x128xf32, #tpu.memory_space<vmem>>
          %dma_wait3A_396 = tpu.memref_squeeze %dma_wait3A_395 : memref<1x8x128xf32, #tpu.memory_space<vmem>> -> memref<8x128xf32, #tpu.memory_space<vmem>>
          %dma_wait3A_397 = arith.constant 0 : i32
          %dma_wait3A_398 = arith.constant 0 : i32
          %dma_wait3A_399 = tpu.memref_slice %arg2[%dma_wait3A_397, %dma_wait3A_398] : memref<4096x16384xf32, #tpu.memory_space<hbm>> -> memref<8x128xf32, #tpu.memory_space<hbm>>
          tpu.wait_dma2 semaphore(%arg10 : memref<!tpu.dma_semaphore, #tpu.memory_space<semaphore_mem>>) src(%dma_wait3A_399 : memref<8x128xf32, #tpu.memory_space<hbm>>) dst(%dma_wait3A_396 : memref<8x128xf32, #tpu.memory_space<vmem>>)
          %dma_wait3A_400 = arith.constant 4 : i32
          %dma_wait3A_401 = arith.constant 0 : i32
          %dma_wait3A_402 = arith.constant 0 : i32
          %dma_wait3A_403 = tpu.memref_slice %arg6[%dma_wait3A_400, %dma_wait3A_401, %dma_wait3A_402] : memref<8x8x128xf32, #tpu.memory_space<vmem>> -> memref<1x8x128xf32, #tpu.memory_space<vmem>>
          %dma_wait3A_404 = tpu.memref_squeeze %dma_wait3A_403 : memref<1x8x128xf32, #tpu.memory_space<vmem>> -> memref<8x128xf32, #tpu.memory_space<vmem>>
          %dma_wait3A_405 = arith.constant 0 : i32
          %dma_wait3A_406 = arith.constant 0 : i32
          %dma_wait3A_407 = tpu.memref_slice %arg2[%dma_wait3A_405, %dma_wait3A_406] : memref<4096x16384xf32, #tpu.memory_space<hbm>> -> memref<8x128xf32, #tpu.memory_space<hbm>>
          %dma_wait3A_408 = arith.constant 0 : i32
          %dma_wait3A_409 = arith.constant 0 : i32
          %dma_wait3A_410 = tpu.memref_slice %arg6[%dma_wait3A_400, %dma_wait3A_408, %dma_wait3A_409] : memref<8x8x128xf32, #tpu.memory_space<vmem>> -> memref<1x8x128xf32, #tpu.memory_space<vmem>>
          %dma_wait3A_411 = tpu.memref_squeeze %dma_wait3A_410 : memref<1x8x128xf32, #tpu.memory_space<vmem>> -> memref<8x128xf32, #tpu.memory_space<vmem>>
          %dma_wait3A_412 = arith.constant 0 : i32
          %dma_wait3A_413 = arith.constant 0 : i32
          %dma_wait3A_414 = tpu.memref_slice %arg2[%dma_wait3A_412, %dma_wait3A_413] : memref<4096x16384xf32, #tpu.memory_space<hbm>> -> memref<8x128xf32, #tpu.memory_space<hbm>>
          tpu.wait_dma2 semaphore(%arg10 : memref<!tpu.dma_semaphore, #tpu.memory_space<semaphore_mem>>) src(%dma_wait3A_414 : memref<8x128xf32, #tpu.memory_space<hbm>>) dst(%dma_wait3A_411 : memref<8x128xf32, #tpu.memory_space<vmem>>)
          %dma_wait3A_415 = arith.constant 5 : i32
          %dma_wait3A_416 = arith.constant 0 : i32
          %dma_wait3A_417 = arith.constant 0 : i32
          %dma_wait3A_418 = tpu.memref_slice %arg6[%dma_wait3A_415, %dma_wait3A_416, %dma_wait3A_417] : memref<8x8x128xf32, #tpu.memory_space<vmem>> -> memref<1x8x128xf32, #tpu.memory_space<vmem>>
          %dma_wait3A_419 = tpu.memref_squeeze %dma_wait3A_418 : memref<1x8x128xf32, #tpu.memory_space<vmem>> -> memref<8x128xf32, #tpu.memory_space<vmem>>
          %dma_wait3A_420 = arith.constant 0 : i32
          %dma_wait3A_421 = arith.constant 0 : i32
          %dma_wait3A_422 = tpu.memref_slice %arg2[%dma_wait3A_420, %dma_wait3A_421] : memref<4096x16384xf32, #tpu.memory_space<hbm>> -> memref<8x128xf32, #tpu.memory_space<hbm>>
          %dma_wait3A_423 = arith.constant 0 : i32
          %dma_wait3A_424 = arith.constant 0 : i32
          %dma_wait3A_425 = tpu.memref_slice %arg6[%dma_wait3A_415, %dma_wait3A_423, %dma_wait3A_424] : memref<8x8x128xf32, #tpu.memory_space<vmem>> -> memref<1x8x128xf32, #tpu.memory_space<vmem>>
          %dma_wait3A_426 = tpu.memref_squeeze %dma_wait3A_425 : memref<1x8x128xf32, #tpu.memory_space<vmem>> -> memref<8x128xf32, #tpu.memory_space<vmem>>
          %dma_wait3A_427 = arith.constant 0 : i32
          %dma_wait3A_428 = arith.constant 0 : i32
          %dma_wait3A_429 = tpu.memref_slice %arg2[%dma_wait3A_427, %dma_wait3A_428] : memref<4096x16384xf32, #tpu.memory_space<hbm>> -> memref<8x128xf32, #tpu.memory_space<hbm>>
          tpu.wait_dma2 semaphore(%arg10 : memref<!tpu.dma_semaphore, #tpu.memory_space<semaphore_mem>>) src(%dma_wait3A_429 : memref<8x128xf32, #tpu.memory_space<hbm>>) dst(%dma_wait3A_426 : memref<8x128xf32, #tpu.memory_space<vmem>>)
          %dma_wait3A_430 = arith.constant 6 : i32
          %dma_wait3A_431 = arith.constant 0 : i32
          %dma_wait3A_432 = arith.constant 0 : i32
          %dma_wait3A_433 = tpu.memref_slice %arg6[%dma_wait3A_430, %dma_wait3A_431, %dma_wait3A_432] : memref<8x8x128xf32, #tpu.memory_space<vmem>> -> memref<1x8x128xf32, #tpu.memory_space<vmem>>
          %dma_wait3A_434 = tpu.memref_squeeze %dma_wait3A_433 : memref<1x8x128xf32, #tpu.memory_space<vmem>> -> memref<8x128xf32, #tpu.memory_space<vmem>>
          %dma_wait3A_435 = arith.constant 0 : i32
          %dma_wait3A_436 = arith.constant 0 : i32
          %dma_wait3A_437 = tpu.memref_slice %arg2[%dma_wait3A_435, %dma_wait3A_436] : memref<4096x16384xf32, #tpu.memory_space<hbm>> -> memref<8x128xf32, #tpu.memory_space<hbm>>
          %dma_wait3A_438 = arith.constant 0 : i32
          %dma_wait3A_439 = arith.constant 0 : i32
          %dma_wait3A_440 = tpu.memref_slice %arg6[%dma_wait3A_430, %dma_wait3A_438, %dma_wait3A_439] : memref<8x8x128xf32, #tpu.memory_space<vmem>> -> memref<1x8x128xf32, #tpu.memory_space<vmem>>
          %dma_wait3A_441 = tpu.memref_squeeze %dma_wait3A_440 : memref<1x8x128xf32, #tpu.memory_space<vmem>> -> memref<8x128xf32, #tpu.memory_space<vmem>>
          %dma_wait3A_442 = arith.constant 0 : i32
          %dma_wait3A_443 = arith.constant 0 : i32
          %dma_wait3A_444 = tpu.memref_slice %arg2[%dma_wait3A_442, %dma_wait3A_443] : memref<4096x16384xf32, #tpu.memory_space<hbm>> -> memref<8x128xf32, #tpu.memory_space<hbm>>
          tpu.wait_dma2 semaphore(%arg10 : memref<!tpu.dma_semaphore, #tpu.memory_space<semaphore_mem>>) src(%dma_wait3A_444 : memref<8x128xf32, #tpu.memory_space<hbm>>) dst(%dma_wait3A_441 : memref<8x128xf32, #tpu.memory_space<vmem>>)
          %dma_wait3A_445 = arith.constant 7 : i32
          %dma_wait3A_446 = arith.constant 0 : i32
          %dma_wait3A_447 = arith.constant 0 : i32
          %dma_wait3A_448 = tpu.memref_slice %arg6[%dma_wait3A_445, %dma_wait3A_446, %dma_wait3A_447] : memref<8x8x128xf32, #tpu.memory_space<vmem>> -> memref<1x8x128xf32, #tpu.memory_space<vmem>>
          %dma_wait3A_449 = tpu.memref_squeeze %dma_wait3A_448 : memref<1x8x128xf32, #tpu.memory_space<vmem>> -> memref<8x128xf32, #tpu.memory_space<vmem>>
          %dma_wait3A_450 = arith.constant 0 : i32
          %dma_wait3A_451 = arith.constant 0 : i32
          %dma_wait3A_452 = tpu.memref_slice %arg2[%dma_wait3A_450, %dma_wait3A_451] : memref<4096x16384xf32, #tpu.memory_space<hbm>> -> memref<8x128xf32, #tpu.memory_space<hbm>>
          %dma_wait3A_453 = arith.constant 0 : i32
          %dma_wait3A_454 = arith.constant 0 : i32
          %dma_wait3A_455 = tpu.memref_slice %arg6[%dma_wait3A_445, %dma_wait3A_453, %dma_wait3A_454] : memref<8x8x128xf32, #tpu.memory_space<vmem>> -> memref<1x8x128xf32, #tpu.memory_space<vmem>>
          %dma_wait3A_456 = tpu.memref_squeeze %dma_wait3A_455 : memref<1x8x128xf32, #tpu.memory_space<vmem>> -> memref<8x128xf32, #tpu.memory_space<vmem>>
          %dma_wait3A_457 = arith.constant 0 : i32
          %dma_wait3A_458 = arith.constant 0 : i32
          %dma_wait3A_459 = tpu.memref_slice %arg2[%dma_wait3A_457, %dma_wait3A_458] : memref<4096x16384xf32, #tpu.memory_space<hbm>> -> memref<8x128xf32, #tpu.memory_space<hbm>>
          tpu.wait_dma2 semaphore(%arg10 : memref<!tpu.dma_semaphore, #tpu.memory_space<semaphore_mem>>) src(%dma_wait3A_459 : memref<8x128xf32, #tpu.memory_space<hbm>>) dst(%dma_wait3A_456 : memref<8x128xf32, #tpu.memory_space<vmem>>)
          %scan3A_460 = arith.constant 0 : i32
          %scan3A_461 = arith.constant 0 : i32
          %scan3A_462 = arith.constant 8 : i32
          %scan3A_463 = arith.addi %scan3A_461, %scan3A_462 : i32
          %scan3A_464 = arith.constant 1 : i32
          scf.for %scan3A_470 = %scan3A_461 to %scan3A_463 step %scan3A_464  : i32 {
            %get3A_471 = arith.index_cast %scan3A_470 : i32 to index
            %get3A_472 = arith.index_cast %scan3A_470 : i32 to index
            %get3A_473 = arith.constant 0 : index
            %get3A_474 = tpu.vector_load %arg6[%get3A_471, %get3A_472, %get3A_473] {strides = array<i32>} : memref<8x8x128xf32, #tpu.memory_space<vmem>>, vector<1x1x16xf32>,
            %get3A_475 = vector.shape_cast %get3A_474 : vector<1x1x16xf32> to vector<16xf32>
            %add3A_476 = arith.addi %multiple_of3A_172, %scan3A_470 : i32
            %swap3A = arith.index_cast %add3A_476 : i32 to index
            %swap3A_477 = arith.constant 0 : index
            %swap3A_478 = tpu.vector_load %arg8[%swap3A, %swap3A_477] {strides = array<i32>} : memref<128x128xf32, #tpu.memory_space<vmem>>, vector<1x16xf32>,
            %swap3A_479 = vector.shape_cast %swap3A_478 : vector<1x16xf32> to vector<16xf32>
            %swap3A_480 = vector.shape_cast %get3A_475 : vector<16xf32> to vector<1x16xf32>
            tpu.vector_store %arg8[%swap3A, %swap3A_477], %swap3A_480 {strides = array<i32>} : memref<128x128xf32, #tpu.memory_space<vmem>>, vector<1x16xf32>,
            %get3A_481 = arith.index_cast %scan3A_470 : i32 to index
            %get3A_482 = arith.index_cast %scan3A_470 : i32 to index
            %get3A_483 = arith.constant 16 : index
            %get3A_484 = tpu.vector_load %arg6[%get3A_481, %get3A_482, %get3A_483] {strides = array<i32>} : memref<8x8x128xf32, #tpu.memory_space<vmem>>, vector<1x1x16xf32>,
            %get3A_485 = vector.shape_cast %get3A_484 : vector<1x1x16xf32> to vector<16xf32>
            %add3A_486 = arith.addi %multiple_of3A_172, %scan3A_470 : i32
            %swap3A_487 = arith.index_cast %add3A_486 : i32 to index
            %swap3A_488 = arith.constant 16 : index
            %swap3A_489 = tpu.vector_load %arg8[%swap3A_487, %swap3A_488] {strides = array<i32>} : memref<128x128xf32, #tpu.memory_space<vmem>>, vector<1x16xf32>,
            %swap3A_490 = vector.shape_cast %swap3A_489 : vector<1x16xf32> to vector<16xf32>
            %swap3A_491 = vector.shape_cast %get3A_485 : vector<16xf32> to vector<1x16xf32>
            tpu.vector_store %arg8[%swap3A_487, %swap3A_488], %swap3A_491 {strides = array<i32>} : memref<128x128xf32, #tpu.memory_space<vmem>>, vector<1x16xf32>,
            %get3A_492 = arith.index_cast %scan3A_470 : i32 to index
            %get3A_493 = arith.index_cast %scan3A_470 : i32 to index
            %get3A_494 = arith.constant 32 : index
            %get3A_495 = tpu.vector_load %arg6[%get3A_492, %get3A_493, %get3A_494] {strides = array<i32>} : memref<8x8x128xf32, #tpu.memory_space<vmem>>, vector<1x1x16xf32>,
            %get3A_496 = vector.shape_cast %get3A_495 : vector<1x1x16xf32> to vector<16xf32>
            %add3A_497 = arith.addi %multiple_of3A_172, %scan3A_470 : i32
            %swap3A_498 = arith.index_cast %add3A_497 : i32 to index
            %swap3A_499 = arith.constant 32 : index
            %swap3A_500 = tpu.vector_load %arg8[%swap3A_498, %swap3A_499] {strides = array<i32>} : memref<128x128xf32, #tpu.memory_space<vmem>>, vector<1x16xf32>,
            %swap3A_501 = vector.shape_cast %swap3A_500 : vector<1x16xf32> to vector<16xf32>
            %swap3A_502 = vector.shape_cast %get3A_496 : vector<16xf32> to vector<1x16xf32>
            tpu.vector_store %arg8[%swap3A_498, %swap3A_499], %swap3A_502 {strides = array<i32>} : memref<128x128xf32, #tpu.memory_space<vmem>>, vector<1x16xf32>,
            %get3A_503 = arith.index_cast %scan3A_470 : i32 to index
            %get3A_504 = arith.index_cast %scan3A_470 : i32 to index
            %get3A_505 = arith.constant 48 : index
            %get3A_506 = tpu.vector_load %arg6[%get3A_503, %get3A_504, %get3A_505] {strides = array<i32>} : memref<8x8x128xf32, #tpu.memory_space<vmem>>, vector<1x1x16xf32>,
            %get3A_507 = vector.shape_cast %get3A_506 : vector<1x1x16xf32> to vector<16xf32>
            %add3A_508 = arith.addi %multiple_of3A_172, %scan3A_470 : i32
            %swap3A_509 = arith.index_cast %add3A_508 : i32 to index
            %swap3A_510 = arith.constant 48 : index
            %swap3A_511 = tpu.vector_load %arg8[%swap3A_509, %swap3A_510] {strides = array<i32>} : memref<128x128xf32, #tpu.memory_space<vmem>>, vector<1x16xf32>,
            %swap3A_512 = vector.shape_cast %swap3A_511 : vector<1x16xf32> to vector<16xf32>
            %swap3A_513 = vector.shape_cast %get3A_507 : vector<16xf32> to vector<1x16xf32>
            tpu.vector_store %arg8[%swap3A_509, %swap3A_510], %swap3A_513 {strides = array<i32>} : memref<128x128xf32, #tpu.memory_space<vmem>>, vector<1x16xf32>,
            %get3A_514 = arith.index_cast %scan3A_470 : i32 to index
            %get3A_515 = arith.index_cast %scan3A_470 : i32 to index
            %get3A_516 = arith.constant 64 : index
            %get3A_517 = tpu.vector_load %arg6[%get3A_514, %get3A_515, %get3A_516] {strides = array<i32>} : memref<8x8x128xf32, #tpu.memory_space<vmem>>, vector<1x1x16xf32>,
            %get3A_518 = vector.shape_cast %get3A_517 : vector<1x1x16xf32> to vector<16xf32>
            %add3A_519 = arith.addi %multiple_of3A_172, %scan3A_470 : i32
            %swap3A_520 = arith.index_cast %add3A_519 : i32 to index
            %swap3A_521 = arith.constant 64 : index
            %swap3A_522 = tpu.vector_load %arg8[%swap3A_520, %swap3A_521] {strides = array<i32>} : memref<128x128xf32, #tpu.memory_space<vmem>>, vector<1x16xf32>,
            %swap3A_523 = vector.shape_cast %swap3A_522 : vector<1x16xf32> to vector<16xf32>
            %swap3A_524 = vector.shape_cast %get3A_518 : vector<16xf32> to vector<1x16xf32>
            tpu.vector_store %arg8[%swap3A_520, %swap3A_521], %swap3A_524 {strides = array<i32>} : memref<128x128xf32, #tpu.memory_space<vmem>>, vector<1x16xf32>,
            %get3A_525 = arith.index_cast %scan3A_470 : i32 to index
            %get3A_526 = arith.index_cast %scan3A_470 : i32 to index
            %get3A_527 = arith.constant 80 : index
            %get3A_528 = tpu.vector_load %arg6[%get3A_525, %get3A_526, %get3A_527] {strides = array<i32>} : memref<8x8x128xf32, #tpu.memory_space<vmem>>, vector<1x1x16xf32>,
            %get3A_529 = vector.shape_cast %get3A_528 : vector<1x1x16xf32> to vector<16xf32>
            %add3A_530 = arith.addi %multiple_of3A_172, %scan3A_470 : i32
            %swap3A_531 = arith.index_cast %add3A_530 : i32 to index
            %swap3A_532 = arith.constant 80 : index
            %swap3A_533 = tpu.vector_load %arg8[%swap3A_531, %swap3A_532] {strides = array<i32>} : memref<128x128xf32, #tpu.memory_space<vmem>>, vector<1x16xf32>,
            %swap3A_534 = vector.shape_cast %swap3A_533 : vector<1x16xf32> to vector<16xf32>
            %swap3A_535 = vector.shape_cast %get3A_529 : vector<16xf32> to vector<1x16xf32>
            tpu.vector_store %arg8[%swap3A_531, %swap3A_532], %swap3A_535 {strides = array<i32>} : memref<128x128xf32, #tpu.memory_space<vmem>>, vector<1x16xf32>,
            %get3A_536 = arith.index_cast %scan3A_470 : i32 to index
            %get3A_537 = arith.index_cast %scan3A_470 : i32 to index
            %get3A_538 = arith.constant 96 : index
            %get3A_539 = tpu.vector_load %arg6[%get3A_536, %get3A_537, %get3A_538] {strides = array<i32>} : memref<8x8x128xf32, #tpu.memory_space<vmem>>, vector<1x1x16xf32>,
            %get3A_540 = vector.shape_cast %get3A_539 : vector<1x1x16xf32> to vector<16xf32>
            %add3A_541 = arith.addi %multiple_of3A_172, %scan3A_470 : i32
            %swap3A_542 = arith.index_cast %add3A_541 : i32 to index
            %swap3A_543 = arith.constant 96 : index
            %swap3A_544 = tpu.vector_load %arg8[%swap3A_542, %swap3A_543] {strides = array<i32>} : memref<128x128xf32, #tpu.memory_space<vmem>>, vector<1x16xf32>,
            %swap3A_545 = vector.shape_cast %swap3A_544 : vector<1x16xf32> to vector<16xf32>
            %swap3A_546 = vector.shape_cast %get3A_540 : vector<16xf32> to vector<1x16xf32>
            tpu.vector_store %arg8[%swap3A_542, %swap3A_543], %swap3A_546 {strides = array<i32>} : memref<128x128xf32, #tpu.memory_space<vmem>>, vector<1x16xf32>,
            %get3A_547 = arith.index_cast %scan3A_470 : i32 to index
            %get3A_548 = arith.index_cast %scan3A_470 : i32 to index
            %get3A_549 = arith.constant 112 : index
            %get3A_550 = tpu.vector_load %arg6[%get3A_547, %get3A_548, %get3A_549] {strides = array<i32>} : memref<8x8x128xf32, #tpu.memory_space<vmem>>, vector<1x1x16xf32>,
            %get3A_551 = vector.shape_cast %get3A_550 : vector<1x1x16xf32> to vector<16xf32>
            %add3A_552 = arith.addi %multiple_of3A_172, %scan3A_470 : i32
            %swap3A_553 = arith.index_cast %add3A_552 : i32 to index
            %swap3A_554 = arith.constant 112 : index
            %swap3A_555 = tpu.vector_load %arg8[%swap3A_553, %swap3A_554] {strides = array<i32>} : memref<128x128xf32, #tpu.memory_space<vmem>>, vector<1x16xf32>,
            %swap3A_556 = vector.shape_cast %swap3A_555 : vector<1x16xf32> to vector<16xf32>
            %swap3A_557 = vector.shape_cast %get3A_551 : vector<16xf32> to vector<1x16xf32>
            tpu.vector_store %arg8[%swap3A_553, %swap3A_554], %swap3A_557 {strides = array<i32>} : memref<128x128xf32, #tpu.memory_space<vmem>>, vector<1x16xf32>,
          }
          %scan3A_465 = arith.constant 8 : i32
          %dma_start3A_466 = arith.constant 0 : i32
          %dma_start3A_467 = tpu.memref_slice %arg2[%multiple_of3A_174, %dma_start3A_466] : memref<4096x16384xf32, #tpu.memory_space<hbm>> -> memref<8x128xf32, #tpu.memory_space<hbm>>
          %dma_start3A_468 = arith.constant 0 : i32
          %dma_start3A_469 = tpu.memref_slice %arg2[%multiple_of3A_174, %dma_start3A_468] : memref<4096x16384xf32, #tpu.memory_space<hbm>> -> memref<8x128xf32, #tpu.memory_space<hbm>>
          tpu.enqueue_dma source(%dma_start3A_469 : memref<8x128xf32, #tpu.memory_space<hbm>>) target(%arg7 : memref<8x128xf32, #tpu.memory_space<vmem>>) target_semaphore(%arg9 : memref<!tpu.dma_semaphore, #tpu.memory_space<semaphore_mem>>)
        } else {
        }
      }
      %scan3A_161 = arith.constant 16 : i32
      %scan3A_162 = arith.constant 0 : i32
      %scan3A_163 = arith.constant 0 : i32
      %scan3A_164 = arith.constant 16 : i32
      %scan3A_165 = arith.addi %scan3A_163, %scan3A_164 : i32
      %scan3A_166 = arith.constant 1 : i32
      scf.for %scan3A_169 = %scan3A_163 to %scan3A_165 step %scan3A_166  : i32 {
        %dma_wait3A = arith.constant 0 : i32
        %dma_wait3A_170 = arith.constant 0 : i32
        %dma_wait3A_171 = tpu.memref_slice %arg2[%dma_wait3A, %dma_wait3A_170] : memref<4096x16384xf32, #tpu.memory_space<hbm>> -> memref<8x128xf32, #tpu.memory_space<hbm>>
        %dma_wait3A_172 = arith.constant 0 : i32
        %dma_wait3A_173 = arith.constant 0 : i32
        %dma_wait3A_174 = tpu.memref_slice %arg2[%dma_wait3A_172, %dma_wait3A_173] : memref<4096x16384xf32, #tpu.memory_space<hbm>> -> memref<8x128xf32, #tpu.memory_space<hbm>>
        tpu.wait_dma2 semaphore(%arg9 : memref<!tpu.dma_semaphore, #tpu.memory_space<semaphore_mem>>) src(%dma_wait3A_174 : memref<8x128xf32, #tpu.memory_space<hbm>>) dst(%arg7 : memref<8x128xf32, #tpu.memory_space<vmem>>)
      }
      %scan3A_167 = arith.constant 16 : i32
      %multiple_of3A_168 = tpu.assume_multiple %mul3A_2, 8 : i32
      "tpu.region"() ({
        %run_scoped3A = tpu.sem_alloc : memref<!tpu.dma_semaphore, #tpu.memory_space<semaphore_mem>>
        %dma_start3A = arith.constant 0 : i32
        %dma_start3A_169 = tpu.memref_slice %arg4[%multiple_of3A_168, %dma_start3A] : memref<4096x128xf32, #tpu.memory_space<hbm>> -> memref<128x128xf32, #tpu.memory_space<hbm>>
        %dma_start3A_170 = arith.constant 0 : i32
        %dma_start3A_171 = tpu.memref_slice %arg4[%multiple_of3A_168, %dma_start3A_170] : memref<4096x128xf32, #tpu.memory_space<hbm>> -> memref<128x128xf32, #tpu.memory_space<hbm>>
        tpu.enqueue_dma source(%arg8 : memref<128x128xf32, #tpu.memory_space<vmem>>) target(%dma_start3A_171 : memref<128x128xf32, #tpu.memory_space<hbm>>) target_semaphore(%run_scoped3A : memref<!tpu.dma_semaphore, #tpu.memory_space<semaphore_mem>>)
        %dma_wait3A = arith.constant 0 : i32
        %dma_wait3A_172 = tpu.memref_slice %arg4[%multiple_of3A_168, %dma_wait3A] : memref<4096x128xf32, #tpu.memory_space<hbm>> -> memref<128x128xf32, #tpu.memory_space<hbm>>
        %dma_wait3A_173 = arith.constant 0 : i32
        %dma_wait3A_174 = tpu.memref_slice %arg4[%multiple_of3A_168, %dma_wait3A_173] : memref<4096x128xf32, #tpu.memory_space<hbm>> -> memref<128x128xf32, #tpu.memory_space<hbm>>
        tpu.wait_dma2 semaphore(%run_scoped3A : memref<!tpu.dma_semaphore, #tpu.memory_space<semaphore_mem>>) src(%arg8 : memref<128x128xf32, #tpu.memory_space<vmem>>) dst(%dma_wait3A_174 : memref<128x128xf32, #tpu.memory_space<hbm>>)
        tpu.yield
      }) : () -> ()
    } else {
    }
    return
  }
}

</mosaic_0001>

<sc_bundles>
// kernel: kernel.3.cloned.1.call-start
scs
__scs_entry_jumppad:
0x0: {  	(pc) =	sbr.rel $0x88, $3  }
0x1: {  	(tag) =	ssettag $0x0;
	lr =	simm.s32 $0x1  }
0x2: {  	[smem:$0x3F9F] =	sst lr;
	_ =	strace $0xD0000000  }
0x3: {  	_ = 	snop  }
0x4: {  	_ = 	snop  }
0x5: {  	_ = 	snop  }
0x6: {  	_ = 	snop  }
0x7: {  	_ = 	snop  }
__scs_overlays_trampoline_lowered:
0x8: {  	[smem:$0x3FAE] =	sst s0  }
0x9: {  	[smem:$0x3FAF] =	sst s1  }
0xa: {  	[smem:$0x3FB0] =	sst s2  }
0xb: {  	[smem:$0x3FB1] =	sst s3  }
0xc: {  	[smem:$0x3FB2] =	sst s4  }
0xd: {  	[smem:$0x3FB3] =	sst s5  }
0xe: {  	[smem:$0x3FB4] =	sst s6  }
0xf: {  	[smem:$0x3FB5] =	sst s7  }
0x10: {  	[smem:$0x3FB6] =	sst s8  }
0x11: {  	[smem:$0x3FB7] =	sst s9;
	s0 =	simm.s32 @!p0 $0x0  }
0x12: {  	s1 =	sld [smem:$0x3F9D];
	s0 =	simm.s32 @p0 $0x1  }
0x13: {  	[smem:$0x3FB8] =	sst s0;
	s0 =	simm.s32 @!p1 $0x0  }
0x14: {  	s2 =	sld [smem:$0x3F9C];
	s0 =	simm.s32 @p1 $0x1  }
0x15: {  	[smem:$0x3FB9] =	sst s0;
	s0 =	simm.s32 @!p2 $0x0  }
0x16: {  	s3 =	sld [smem:$0x3FDB];
	s0 =	simm.s32 @p2 $0x1  }
0x17: {  	s4 =	simm.s32 $0x1BF5;
	[smem:$0x3FBB] =	sst s0  }
0x18: {  	s0 =	sld [smem:$0x3F9E];
	_ =	swait.ge [sflag:s4], $0x0  }
0x19: {  	s7 =	sld [smem:$0x3F9F]  }
0x1a: {  	s8 =	sadd.s32 $0xFFFFE003, lr  }
0x1b: {  	s9 =	sadd.s32 $0xFFFFFEF7, lr;
	s5 =	simm.s32 $0xFFFFFFFF;
	p2 =	slt.u32 s8, $0xFFFFF086  }
0x1c: {  	p1 =	slt.u32 s9, $0xF7A;
	s5 =	simm.s32 @!p2 $0x0  }
0x1d: {  	s5 =	simm.s32 @p1 $0x1;
	p0 =	seq.s32 s7, s2  }
0x1e: {  	s7 =	smul.u32 @!p0 $0xF7A, s2;
	p2 =	seq.s32 @!p0 s5, $0x0  }
0x1f: {  	s9 =	smul.u32 $0xF7A, s1;
	s8 =	simm.s32 @!p0 $0x1BF5;
	p2 =	por !p2, p0  }
0x20: {  	[sflag:s8] =	ssyncset.s32 @!p0 $0xFFFFF086;
	s6 =	sadd.s32 @!p0 s3, s7;
	s7 =	simm.s32 @!p0 $0x108  }
0x21: {  	s3 =	sadd.s32 s3, s9;
	s6 =	sadd.s32 @!p0 $0x88, s6;
	s7 =	simm.s32 @p2 $0x1082  }
0x22: {  	[simem:s7], [sflag:s8] =	dma.local @!p0 [hbm:s6], $0xF7A  }
0x23: {  	s9 =	sor.u32 $0xD0000000, s2;
	s6 =	simm.s32 $0x108;
	_ =	swait.ge @!p0 [sflag:s8], $0x0  }
0x24: {  	s3 =	sadd.s32 $0x88, s3;
	s6 =	simm.s32 @!p1 $0x1082;
	[sflag:s4] =	ssyncset.s32 $0xFFFFF086  }
0x25: {  	[simem:s6], [sflag:s4] =	dma.local [hbm:s3], $0xF7A  }
0x26: {  	[smem:$0x3F9F] =	sst s1;
	(tag) =	ssettag s2;
	_ =	strace s9  }
0x27: {  	s1 =	sld [smem:$0x3FAF]  }
0x28: {  	s2 =	sld [smem:$0x3FB0]  }
0x29: {  	s4 =	sld [smem:$0x3FB2]  }
0x2a: {  	p0 =	seq.s32 s5, $0x0;
	s5 =	sld [smem:$0x3FB3]  }
0x2b: {  	s6 =	sld [smem:$0x3FB4]  }
0x2c: {  	s7 =	sld [smem:$0x3FB5]  }
0x2d: {  	s3 =	simm.s32 $0x108;
	s8 =	sld [smem:$0x3FB6]  }
0x2e: {  	s3 =	simm.s32 @!p0 $0x1082;
	s9 =	sld [smem:$0x3FB7]  }
0x2f: {  	lr =	sadd.s32 s0, s3;
	s0 =	sld [smem:$0x3FAE]  }
0x30: {  	s3 =	sld [smem:$0x3FB1]  }
0x31: {  	[smem:$0x3FBA] =	sst s10  }
0x32: {  	s10 =	sld [smem:$0x3FB8];
	_ =	sdelay $0x3  }
0x33: {  	p0 =	seq.s32 s10, $0x1;
	s10 =	sld [smem:$0x3FBA];
	_ =	sdelay $0x3  }
0x34: {  	[smem:$0x3FBA] =	sst s10  }
0x35: {  	s10 =	sld [smem:$0x3FB9];
	_ =	sdelay $0x3  }
0x36: {  	p1 =	seq.s32 s10, $0x1;
	s10 =	sld [smem:$0x3FBA];
	_ =	sdelay $0x3  }
0x37: {  	[smem:$0x3FBA] =	sst s10  }
0x38: {  	s10 =	sld [smem:$0x3FBB]  }
0x39: {  	_ = 	snop;
	(pc) =	sbr.ind lr, $3  }
0x3a: {  	_ = 	snop  }
0x3b: {  	_ = 	snop  }
0x3c: {  	p2 =	seq.s32 s10, $0x1;
	s10 =	sld [smem:$0x3FBA]  }
0x3d: {  	_ =	shalt  }
0x3e: {  	_ =	shalt  }
0x3f: {  	_ =	shalt  }
0x40: {  	_ =	shalt  }
0x41: {  	_ =	shalt  }
0x42: {  	_ =	shalt  }
0x43: {  	_ =	shalt  }
0x44: {  	_ =	shalt  }
0x45: {  	_ =	shalt  }
0x46: {  	_ =	shalt  }
0x47: {  	_ =	shalt  }
0x48: {  	_ =	shalt  }
0x49: {  	_ =	shalt  }
0x4a: {  	_ =	shalt  }
0x4b: {  	_ =	shalt  }
0x4c: {  	_ =	shalt  }
0x4d: {  	_ =	shalt  }
0x4e: {  	_ =	shalt  }
0x4f: {  	_ =	shalt  }
0x50: {  	_ =	shalt  }
0x51: {  	_ =	shalt  }
0x52: {  	_ =	shalt  }
0x53: {  	_ =	shalt  }
0x54: {  	_ =	shalt  }
0x55: {  	_ =	shalt  }
0x56: {  	_ =	shalt  }
0x57: {  	_ =	shalt  }
0x58: {  	_ =	shalt  }
0x59: {  	_ =	shalt  }
0x5a: {  	_ =	shalt  }
0x5b: {  	_ =	shalt  }
0x5c: {  	_ =	shalt  }
0x5d: {  	_ =	shalt  }
0x5e: {  	_ =	shalt  }
0x5f: {  	_ =	shalt  }
0x60: {  	_ =	shalt  }
0x61: {  	_ =	shalt  }
0x62: {  	_ =	shalt  }
0x63: {  	_ =	shalt  }
0x64: {  	_ =	shalt  }
0x65: {  	_ =	shalt  }
0x66: {  	_ =	shalt  }
0x67: {  	_ =	shalt  }
0x68: {  	_ =	shalt  }
0x69: {  	_ =	shalt  }
0x6a: {  	_ =	shalt  }
0x6b: {  	_ =	shalt  }
0x6c: {  	_ =	shalt  }
0x6d: {  	_ =	shalt  }
0x6e: {  	_ =	shalt  }
0x6f: {  	_ =	shalt  }
0x70: {  	_ =	shalt  }
0x71: {  	_ =	shalt  }
0x72: {  	_ =	shalt  }
0x73: {  	_ =	shalt  }
0x74: {  	_ =	shalt  }
0x75: {  	_ =	shalt  }
0x76: {  	_ =	shalt  }
0x77: {  	_ =	shalt  }
0x78: {  	_ =	shalt  }
0x79: {  	_ =	shalt  }
0x7a: {  	_ =	shalt  }
0x7b: {  	_ =	shalt  }
0x7c: {  	_ =	shalt  }
0x7d: {  	_ =	shalt  }
0x7e: {  	_ =	shalt  }
0x7f: {  	_ =	shalt  }
0x80: {  	_ =	shalt  }
0x81: {  	_ =	shalt  }
0x82: {  	_ =	shalt  }
0x83: {  	_ =	shalt  }
0x84: {  	_ =	shalt  }
0x85: {  	_ =	shalt  }
0x86: {  	_ =	shalt  }
0x87: {  	_ =	shalt  }
.Lfunc_end0:
.L_simem_size_0:
called_computation_lowered:
.L_overlay_start_0:
0x88: {  	s2 =	sld [smem:$0x3FD9]  }
0x89: {  	s3 =	sld [smem:$0x3FFE];
	_ =	sdelay $0x1  }
0x8a: {  	s1 =	srdreg.scid  }
0x8b: {  	s0 =	sand.u32 $0x1, s1  }
0x8c: {  	s18 =	sshll.u32 s0, $0xA;
	s2 =	sadd.s32 s3, s2  }
0x8d: {  	s2 =	sadd.s32 s2, s18  }
0x8e: {  	[smem:$0x3FC6] =	sst s2  }
0x8f: {  	_ = 	snop  }
0x90: {  	s2 =	sld [smem:$0x3FC9]  }
0x91: {  	s19 =	sld [smem:$0x3FC8]  }
0x92: {  	s4 =	sld [smem:$0x3FD0];
	(tm) =	ssettm $0x1  }
0x93: {  	s5 =	sld [smem:$0x3FFB];
	_ =	sdelay $0x3  }
0x94: {  	_ =	strace s5  }
0x95: {  	s5 =	sld [smem:$0x3FFC];
	_ =	sdelay $0x3  }
0x96: {  	_ =	strace s5  }
0x97: {  	s5 =	sld [smem:$0x3FFD];
	_ =	sdelay $0x3  }
0x98: {  	_ =	strace s5  }
0x99: {  	_ =	strace $0x8FFFFFFF  }
0x9a: {  	s20 =	sld [smem:$0x3FDB];
	_ =	sdelay $0x1  }
0x9b: {  	s6 =	simm.s32 $_scs_section_size  }
0x9c: {  	s7 =	simm.s32 $_size__tile_overlayer_lowered;
	s8 =	simm.s32 $_tile_overlayer_lowered  }
0x9d: {  	s23 =	simm.s32 $0x1BFF;
	s22 =	sshll.u32 s8, $0x1;
	s5 =	sadd.s32 s6, s20  }
0x9e: {  	s9 =	simm.s32 $0x0;
	s21 =	sshll.u32 s7, $0x1;
	s7 =	sadd.s32 s22, s5  }
0x9f: {  	[timem:s9], [sflag:s23] =	dma.local [hbm:s7], s21  }
0xa0: {  	_ =	swait.ge [sflag:s23], s21  }
0xa1: {  	s6 =	ssub.s32 $0x0, s21;
	[sflag:s23] =	ssyncset.done $0x0  }
0xa2: {  	[sflag:s23] =	ssyncadd.s32 s6;
	_ =	sdelay $0x1  }
0xa3: {  	s24 =	simm.s32 $0x1B8B  }
0xa4: {  	_ =	swait.ge [sflag:s24], $0x1  }
0xa5: {  	[sflag:s24] =	ssyncset.done $0x0  }
0xa6: {  	s25 =	simm.s32 $0x1B8E;
	[sflag:s24] =	ssyncadd.s32 $0xFFFFFFFF  }
0xa7: {  	s26 =	simm.s32 $execute0_lowered;
	[smem:$0x3FD2] =	sst s25  }
0xa8: {  	s6 =	sshll.u32 s26, $0x1;
	_ =	strace $0x80000046;
	[dreg:$0x1] =	wrdreg $0xFFFFFFFF  }
0xa9: {  	s28 =	simm.s32 $_size_execute0_lowered;
	s5 =	sadd.s32 s5, s6;
	[dreg:$0x0] =	wrdreg $0x0  }
0xaa: {  	s6 =	sshll.u32 s28, $0x1;
	[dreg:$0x2] =	wrdreg s5  }
0xab: {  	[dreg:$0x3] =	wrdreg s6  }
0xac: {  	[dreg:$0x4] =	wrdreg $0xC0  }
0xad: {  	_ =	task [dreg:s9], $0x5FFFF  }
0xae: {  	[dreg:$0x1] =	wrdreg $0xFFFFFFFF  }
0xaf: {  	[dreg:$0x0] =	wrdreg $0x60  }
0xb0: {  	[dreg:$0x2] =	wrdreg s2  }
0xb1: {  	[dreg:$0x3] =	wrdreg s19  }
0xb2: {  	[dreg:$0x4] =	wrdreg s4  }
0xb3: {  	[dreg:$0x5] =	wrdreg $0x9  }
0xb4: {  	_ =	task.clear_ibuf [dreg:s9], $0x6FFFF;
	_ =	strace $0x90000046  }
0xb5: {  	s29 =	simm.s32 $0x9;
	_ =	strace $0x80000048  }
0xb6: {  	_ =	swait.ge [sflag:s29], $0x1  }
0xb7: {  	[sflag:s29] =	ssyncadd.s32 $0xFFFFFFFF  }
0xb8: {  	_ =	strace $0x90000048  }
0xb9: {  	_ =	sfence  }
0xba: {  	s30 =	sld [smem:$0x0];
	_ =	sdelay $0x2  }
0xbb: {  	s31 =	sshll.u32 s1, $0xD;
	s1 =	sshrl.u32 s1, $0x2  }
0xbc: {  	s3 =	sand.u32 $0x4000, s31;
	s1 =	sadd.s32 s1, s30  }
0xbd: {  	s0 =	sor.u32 s3, s0;
	s1 =	sshll.u32 s1, $0x11  }
0xbe: {  	s0 =	sor.u32 s1, s0  }
0xbf: {  	s0 =	sadd.s32 $0x8F2B, s0  }
0xc0: {  	[sflag:s0] =	ssyncadd.remote.s32 $0x1  }
0xc1: {  	_ =	sfence.sel $0xFFFF  }
0xc2: {  	[dreg:$0x0] =	wrdreg $0xFFFFFFFF;
	(pc) =	sbr.abs _section_cstart, $3  }
0xc3: {  	[dreg:$0x1] =	wrdreg $0xFFFFFFFF  }
0xc4: {  	_ =	task.clear_ibuf [dreg:s9], $0x2FFFF;
	_ =	strace $0x9FFFFFFF  }
0xc5: {  	(tm) =	ssettm $0x7FFFFFFF  }
tec
execute0_lowered:
.L_overlay_start_1:
0x0: {  	(tag) =	ssettag $0x1  }
0x1: {  	s2 =	rddreg [dreg:$0x0]  }
0x2: {  	s0 =	rddreg [dreg:$0x1];
	s1 =	srdreg.scid  }
0x3: {  	s9 =	rddreg [dreg:$0x2];
	s12 =	stileid.u32  }
0x4: {  	s3 =	simm.s32 $0x0;
	s13 =	simm.s32 $0x1;
	s14 =	simm.s32 $0x2500  }
0x5: {  	s28 =	simm.s32 $0x0;
	s22 =	simm.s32 $0x100;
	s1 =	sand.u32 $0x1, s1  }
0x6: {  	s4 =	sshll.u32 s12, $0x8;
	[smem:$0x7FF] =	sst s3;
	s30 =	sshll.u32 s12, $0x13  }
0x7: {  	s12 =	simm.s32 $0x3;
	s5 =	sshll.u32 s1, $0x7;
	s6 =	ssub.s32 $0x2, s1  }
0x8: {  	_ =	strace $0x80000047;
	s31 =	sadd.s32 s30, s2;
	s4 =	sor.u32 s5, s4  }
0x9: {  	s1 =	sshll.u32 s1, $0x12;
	s23 =	sshrl.u32 s6, $0x1;
	s7 =	sshrl.u32 s4, $0x3  }
0xa: {  	s10 =	ssub.s32 s6, s23;
	s24 =	sshll.u32 s4, $0xB;
	s26 =	sshll.u32 s4, $0x4  }
.Ltmp0:
0xb: {  	s23 =	simm.s32 $0x2;
	s11 =	sor.u32 $0x8, s7;
	(pc) =	sbr.rel .LBB2_1-.Ltmp0, $4  }
0xc: {  	s5 =	sadd.s32 s0, s7;
	s6 =	sadd.s32 s24, s2;
	s8 =	sadd.s32 s9, s26  }
0xd: {  	s10 =	smax.u32 s10, $0x1;
	s24 =	simm.s32 $0x400;
	s26 =	simm.s32 $0x4500  }
0xe: {  	s25 =	sshll.u32 s11, $0xE;
	s29 =	sshll.u32 s11, $0x7;
	s11 =	sadd.s32 s1, s31  }
0xf: {  	v0 =	vimm.s32 $0x0;
	s7 =	sadd.s32 s25, s2;
	s9 =	sadd.s32 s9, s29;
	s25 =	simm.s32 $0x20000  }
.LBB2_8:
0x10: {  	s28 =	sadd.s32 $0x1, s28  }
0x11: {  	p0 =	sne.s32 s28, s10  }
.Ltmp1:
0x12: {  	_ = 	snop;
	(pc) =	sbr.rel @!p0 .LBB2_9-.Ltmp1, $1  }
0x13: {  	_ =	sdelay $0x3  }
.LBB2_1:
0x14: {  	[tilespmem:s3], [sflag:$0x3] =	stream.linear.gather [hbm4b:s5+s3], $0x80, $0x38;
	[tilespmem:$0x6500] =	vst v63  }
0x15: {  	_ =	swait.ge [sflag:s12], $0x80  }
0x16: {  	[sflag:s12] =	ssyncset.done $0x0  }
0x17: {  	[sflag:s12] =	ssyncadd.s32 $0xFFFFFF80  }
0x18: {  	v1 =	vld [tilespmem:$0x0]  }
0x19: {  	v2 =	vld [tilespmem:$0x10]  }
0x1a: {  	v3 =	vld [tilespmem:$0x20]  }
0x1b: {  	v4 =	vld [tilespmem:$0x30]  }
0x1c: {  	v6 =	vld [tilespmem:$0x40]  }
0x1d: {  	v7 =	vld [tilespmem:$0x50]  }
0x1e: {  	v8 =	vld [tilespmem:$0x60];
	_ =	sdelay $0x2  }
0x1f: {  	v5 =	vsub.s32 $0x0, v1;
	v57 =	vsub.s32 $0x0, v2;
	v58 =	vsub.s32 $0x0, v3  }
0x20: {  	v59 =	vsub.s32 $0x0, v4;
	v60 =	vsub.s32 $0x0, v6;
	v61 =	vsub.s32 $0x0, v7  }
0x21: {  	v62 =	vsub.s32 $0x0, v8;
	v1 =	vmin.u32 v1, v5;
	v2 =	vmin.u32 v2, v57  }
0x22: {  	v3 =	vmin.u32 v3, v58;
	v4 =	vmin.u32 v4, v59;
	v5 =	vmin.u32 v6, v60  }
0x23: {  	v6 =	vmin.u32 v7, v61;
	v7 =	vmin.u32 v8, v62;
	v1 =	vshll.u32 v1, $0x7  }
0x24: {  	v2 =	vshll.u32 v2, $0x7;
	v3 =	vshll.u32 v3, $0x7;
	v4 =	vshll.u32 v4, $0x7  }
0x25: {  	v9 =	vld [tilespmem:$0x70];
	v5 =	vshll.u32 v5, $0x7;
	v6 =	vshll.u32 v6, $0x7;
	v1 =	vadd.s32 $0xFFFFFF80, v1  }
0x26: {  	v7 =	vshll.u32 v7, $0x7;
	v2 =	vadd.s32 $0xFFFFFF80, v2;
	v63 =	vbroadcast v1, $0x0  }
0x27: {  	v3 =	vadd.s32 $0xFFFFFF80, v3;
	v4 =	vadd.s32 $0xFFFFFF80, v4;
	v5 =	vadd.s32 $0xFFFFFF80, v5  }
0x28: {  	v6 =	vadd.s32 $0xFFFFFF80, v6;
	vm0 =	veq.s32 v1, v63;
	vm1 =	veq.s32 v2, v63  }
0x29: {  	v2 =	vadd.s32 $0xFFFFFF80, v7;
	vm10 =	veq.s32 v3, v63;
	vm0 =	vmand vm0, vm1  }
0x2a: {  	v3 =	vsub.s32 $0x0, v9;
	vm11 =	veq.s32 v4, v63;
	vm0 =	vmand vm0, vm10  }
0x2b: {  	vm12 =	veq.s32 v5, v63;
	v3 =	vmin.u32 v9, v3;
	vm0 =	vmand vm0, vm11  }
0x2c: {  	vm13 =	veq.s32 v6, v63;
	v3 =	vshll.u32 v3, $0x7;
	vm0 =	vmand vm0, vm12  }
0x2d: {  	vm14 =	veq.s32 v2, v63;
	v3 =	vadd.s32 $0xFFFFFF80, v3;
	vm0 =	vmand vm0, vm13  }
0x2e: {  	vm15 =	veq.s32 v3, v63;
	vm0 =	vmand vm0, vm14  }
0x2f: {  	vm0 =	vmand vm0, vm15  }
0x30: {  	v2 =	vsel vm0, $0x1, v0  }
0x31: {  	(v2sf) =	vpush v2, $0x0  }
0x32: {  	(v2sf) =	vpush v2, $0x1  }
0x33: {  	(v2sf) =	vpush v2, $0x2  }
0x34: {  	(v2sf) =	vpush v2, $0x3  }
0x35: {  	(v2sf) =	vpush v2, $0x4  }
0x36: {  	(v2sf) =	vpush v2, $0x5  }
0x37: {  	(v2sf) =	vpush v2, $0x6  }
0x38: {  	(v2sf) =	vpush v2, $0x7  }
0x39: {  	(v2sf) =	vpush v2, $0x8  }
0x3a: {  	(v2sf) =	vpush v2, $0x9  }
0x3b: {  	(v2sf) =	vpush v2, $0xA  }
0x3c: {  	(v2sf) =	vpush v2, $0xB  }
0x3d: {  	(v2sf) =	vpush v2, $0xC  }
0x3e: {  	(v2sf) =	vpush v2, $0xD  }
0x3f: {  	(v2sf) =	vpush v2, $0xE  }
0x40: {  	s0 =	spop (v2sf);
	(v2sf) =	vpush v2, $0xF  }
0x41: {  	s1 =	spop (v2sf)  }
0x42: {  	s15 =	spop (v2sf);
	s0 =	sand.u32 s1, s0  }
0x43: {  	s21 =	spop (v2sf);
	s0 =	sand.u32 s15, s0  }
0x44: {  	s16 =	spop (v2sf);
	s0 =	sand.u32 s21, s0  }
0x45: {  	s17 =	spop (v2sf);
	s0 =	sand.u32 s16, s0  }
0x46: {  	s18 =	spop (v2sf);
	s0 =	sand.u32 s17, s0  }
0x47: {  	s19 =	spop (v2sf);
	s0 =	sand.u32 s18, s0  }
0x48: {  	s20 =	spop (v2sf);
	s0 =	sand.u32 s19, s0  }
0x49: {  	s21 =	spop (v2sf);
	s0 =	sand.u32 s20, s0  }
0x4a: {  	s16 =	spop (v2sf);
	s0 =	sand.u32 s21, s0  }
0x4b: {  	s17 =	spop (v2sf);
	s0 =	sand.u32 s16, s0  }
0x4c: {  	s18 =	spop (v2sf);
	s0 =	sand.u32 s17, s0  }
0x4d: {  	s19 =	spop (v2sf);
	s0 =	sand.u32 s18, s0  }
0x4e: {  	s20 =	spop (v2sf);
	s0 =	sand.u32 s19, s0  }
0x4f: {  	s0 =	sand.u32 s20, s0;
	s21 =	spop (v2sf)  }
0x50: {  	s0 =	sand.u32 s21, s0  }
0x51: {  	p0 =	seq.s32 s0, $0x0  }
.Ltmp2:
0x52: {  	_ = 	snop;
	(pc) =	sbr.rel @p0 .LBB2_3-.Ltmp2, $3  }
0x53: {  	_ =	sdelay $0x1  }
0x54: {  	s29 =	simm.s32 $0x2500  }
0x55: {  	s30 =	simm.s32 $0x0;
	s31 =	simm.s32 $0x0;
	s0 =	simm.s32 $0x0  }
0x56: {  	(v2sf) =	vpush v1, $0x0;
	_ =	sdelay $0xe  }
0x57: {  	s0 =	spop (v2sf)  }
0x58: {  	s1 =	sadd.s32 s6, s0  }
0x59: {  	[tilespmem:s14], [sflag:$0x1] =	stream.strided.gather [hbm4b:s1+s24], $0x2000, s25, s24, $0x38;
	[tilespmem:$0x6500] =	vst v63  }
0x5a: {  	s0 =	sadd.s32 s7, s0  }
0x5b: {  	[tilespmem:s26], [sflag:$0x2] =	stream.strided.gather [hbm4b:s0+s24], $0x2000, s25, s24, $0x38;
	[tilespmem:$0x6500] =	vst v63  }
0x5c: {  	_ =	swait.ge [sflag:s13], $0x2000  }
0x5d: {  	[sflag:s13] =	ssyncset.done $0x0  }
0x5e: {  	[sflag:s13] =	ssyncadd.s32 $0xFFFFE000  }
0x5f: {  	[hbm4b:s8+s3] =	stream.linear.scatter [tilespmem:s14], [sflag:$0x1], $0x2000, $0x38;
	[tilespmem:$0x6500] =	vst v63  }
0x60: {  	_ =	swait.ge [sflag:s23], $0x2000  }
0x61: {  	[sflag:s23] =	ssyncset.done $0x0  }
0x62: {  	[sflag:s23] =	ssyncadd.s32 $0xFFFFE000  }
0x63: {  	[hbm4b:s9+s3] =	stream.linear.scatter [tilespmem:s26], [sflag:$0x2], $0x2000, $0x38;
	[tilespmem:$0x6500] =	vst v63  }
0x64: {  	_ =	swait.ge [sflag:s13], $0x2000  }
.Ltmp3:
0x65: {  	[sflag:s13] =	ssyncset.done $0x0;
	(pc) =	sbr.rel .LBB2_8-.Ltmp3, $4  }
0x66: {  	[sflag:s13] =	ssyncadd.s32 $0xFFFFE000  }
0x67: {  	_ =	swait.ge [sflag:s23], $0x2000  }
0x68: {  	[sflag:s23] =	ssyncset.done $0x0  }
0x69: {  	[sflag:s23] =	ssyncadd.s32 $0xFFFFE000  }
.LBB2_5:
0x6a: {  	[tilespmem:s22], [sflag:$0x2] =	stream.linear.gather [hbm4b:s21+s3], $0x400, $0x38;
	[tilespmem:$0x6500] =	vst v63  }
0x6b: {  	s20 =	sadd.s32 s20, s11  }
0x6c: {  	s21 =	simm.s32 $0x500;
	s19 =	sadd.s32 s19, s11;
	s20 =	sadd.s32 s30, s20  }
0x6d: {  	[tilespmem:s21], [sflag:$0x2] =	stream.linear.gather [hbm4b:s20+s3], $0x400, $0x38;
	[tilespmem:$0x6500] =	vst v63  }
0x6e: {  	s18 =	sadd.s32 s18, s11;
	s19 =	sadd.s32 s30, s19;
	s21 =	simm.s32 $0x900  }
0x6f: {  	[tilespmem:s21], [sflag:$0x2] =	stream.linear.gather [hbm4b:s19+s3], $0x400, $0x38;
	[tilespmem:$0x6500] =	vst v63  }
0x70: {  	s17 =	sadd.s32 s17, s11;
	s18 =	sadd.s32 s30, s18;
	s20 =	simm.s32 $0xD00  }
0x71: {  	[tilespmem:s20], [sflag:$0x2] =	stream.linear.gather [hbm4b:s18+s3], $0x400, $0x38;
	[tilespmem:$0x6500] =	vst v63  }
0x72: {  	s16 =	sadd.s32 s16, s11;
	s17 =	sadd.s32 s30, s17;
	s21 =	simm.s32 $0x1100  }
0x73: {  	[tilespmem:s21], [sflag:$0x2] =	stream.linear.gather [hbm4b:s17+s3], $0x400, $0x38;
	[tilespmem:$0x6500] =	vst v63  }
0x74: {  	s15 =	sadd.s32 s15, s11;
	s16 =	sadd.s32 s30, s16;
	s18 =	simm.s32 $0x1500  }
0x75: {  	[tilespmem:s18], [sflag:$0x2] =	stream.linear.gather [hbm4b:s16+s3], $0x400, $0x38;
	[tilespmem:$0x6500] =	vst v63  }
0x76: {  	s1 =	sadd.s32 s1, s11;
	s15 =	sadd.s32 s30, s15;
	s19 =	simm.s32 $0x1900  }
0x77: {  	[tilespmem:s19], [sflag:$0x2] =	stream.linear.gather [hbm4b:s15+s3], $0x400, $0x38;
	[tilespmem:$0x6500] =	vst v63  }
0x78: {  	s1 =	sadd.s32 s30, s1;
	s20 =	simm.s32 $0x1D00  }
0x79: {  	[tilespmem:s20], [sflag:$0x2] =	stream.linear.gather [hbm4b:s1+s3], $0x400, $0x38;
	[tilespmem:$0x6500] =	vst v63  }
0x7a: {  	_ =	swait.ge [sflag:s23], $0x400  }
0x7b: {  	[sflag:s23] =	ssyncset.done $0x0  }
0x7c: {  	[sflag:s23] =	ssyncadd.s32 $0xFFFFFC00  }
0x7d: {  	_ =	swait.ge [sflag:s23], $0x400  }
0x7e: {  	[sflag:s23] =	ssyncset.done $0x0  }
0x7f: {  	[sflag:s23] =	ssyncadd.s32 $0xFFFFFC00  }
0x80: {  	_ =	swait.ge [sflag:s23], $0x400  }
0x81: {  	[sflag:s23] =	ssyncset.done $0x0  }
0x82: {  	[sflag:s23] =	ssyncadd.s32 $0xFFFFFC00  }
0x83: {  	_ =	swait.ge [sflag:s23], $0x400  }
0x84: {  	[sflag:s23] =	ssyncset.done $0x0  }
0x85: {  	[sflag:s23] =	ssyncadd.s32 $0xFFFFFC00  }
0x86: {  	_ =	swait.ge [sflag:s23], $0x400  }
0x87: {  	[sflag:s23] =	ssyncset.done $0x0  }
0x88: {  	[sflag:s23] =	ssyncadd.s32 $0xFFFFFC00  }
0x89: {  	_ =	swait.ge [sflag:s23], $0x400  }
0x8a: {  	[sflag:s23] =	ssyncset.done $0x0  }
0x8b: {  	[sflag:s23] =	ssyncadd.s32 $0xFFFFFC00  }
0x8c: {  	_ =	swait.ge [sflag:s23], $0x400  }
0x8d: {  	[sflag:s23] =	ssyncset.done $0x0  }
0x8e: {  	[sflag:s23] =	ssyncadd.s32 $0xFFFFFC00  }
0x8f: {  	_ =	swait.ge [sflag:s23], $0x400  }
0x90: {  	[sflag:s23] =	ssyncset.done $0x0  }
0x91: {  	[sflag:s23] =	ssyncadd.s32 $0xFFFFFC00  }
0x92: {  	v1 =	vld [tilespmem:$0x100];
	_ =	sdelay $0x4  }
0x93: {  	[tilespmem:s29+$0x0] =	vst v1  }
0x94: {  	v1 =	vld [tilespmem:$0x110];
	_ =	sdelay $0x4  }
0x95: {  	[tilespmem:s29+$0x10] =	vst v1  }
0x96: {  	v1 =	vld [tilespmem:$0x120];
	_ =	sdelay $0x4  }
0x97: {  	[tilespmem:s29+$0x20] =	vst v1  }
0x98: {  	v1 =	vld [tilespmem:$0x130];
	_ =	sdelay $0x4  }
0x99: {  	[tilespmem:s29+$0x30] =	vst v1  }
0x9a: {  	v1 =	vld [tilespmem:$0x140];
	_ =	sdelay $0x4  }
0x9b: {  	[tilespmem:s29+$0x40] =	vst v1  }
0x9c: {  	v1 =	vld [tilespmem:$0x150];
	_ =	sdelay $0x4  }
0x9d: {  	[tilespmem:s29+$0x50] =	vst v1  }
0x9e: {  	v1 =	vld [tilespmem:$0x160];
	_ =	sdelay $0x4  }
0x9f: {  	[tilespmem:s29+$0x60] =	vst v1  }
0xa0: {  	v1 =	vld [tilespmem:$0x170];
	_ =	sdelay $0x4  }
0xa1: {  	[tilespmem:s29+$0x70] =	vst v1  }
0xa2: {  	v1 =	vld [tilespmem:$0x580];
	_ =	sdelay $0x4  }
0xa3: {  	[tilespmem:s29+$0x80] =	vst v1  }
0xa4: {  	v1 =	vld [tilespmem:$0x590];
	_ =	sdelay $0x4  }
0xa5: {  	[tilespmem:s29+$0x90] =	vst v1  }
0xa6: {  	v1 =	vld [tilespmem:$0x5A0];
	_ =	sdelay $0x4  }
0xa7: {  	[tilespmem:s29+$0xA0] =	vst v1  }
0xa8: {  	v1 =	vld [tilespmem:$0x5B0];
	_ =	sdelay $0x4  }
0xa9: {  	[tilespmem:s29+$0xB0] =	vst v1  }
0xaa: {  	v1 =	vld [tilespmem:$0x5C0];
	_ =	sdelay $0x4  }
0xab: {  	[tilespmem:s29+$0xC0] =	vst v1  }
0xac: {  	v1 =	vld [tilespmem:$0x5D0];
	_ =	sdelay $0x4  }
0xad: {  	[tilespmem:s29+$0xD0] =	vst v1  }
0xae: {  	v1 =	vld [tilespmem:$0x5E0];
	_ =	sdelay $0x4  }
0xaf: {  	[tilespmem:s29+$0xE0] =	vst v1  }
0xb0: {  	v1 =	vld [tilespmem:$0x5F0];
	_ =	sdelay $0x4  }
0xb1: {  	[tilespmem:s29+$0xF0] =	vst v1  }
0xb2: {  	v1 =	vld [tilespmem:$0xA00];
	_ =	sdelay $0x4  }
0xb3: {  	[tilespmem:s29+$0x100] =	vst v1  }
0xb4: {  	v1 =	vld [tilespmem:$0xA10];
	_ =	sdelay $0x4  }
0xb5: {  	[tilespmem:s29+$0x110] =	vst v1  }
0xb6: {  	v1 =	vld [tilespmem:$0xA20];
	_ =	sdelay $0x4  }
0xb7: {  	[tilespmem:s29+$0x120] =	vst v1  }
0xb8: {  	v1 =	vld [tilespmem:$0xA30];
	_ =	sdelay $0x4  }
0xb9: {  	[tilespmem:s29+$0x130] =	vst v1  }
0xba: {  	v1 =	vld [tilespmem:$0xA40];
	_ =	sdelay $0x4  }
0xbb: {  	[tilespmem:s29+$0x140] =	vst v1  }
0xbc: {  	v1 =	vld [tilespmem:$0xA50];
	_ =	sdelay $0x4  }
0xbd: {  	[tilespmem:s29+$0x150] =	vst v1  }
0xbe: {  	v1 =	vld [tilespmem:$0xA60];
	_ =	sdelay $0x4  }
0xbf: {  	[tilespmem:s29+$0x160] =	vst v1  }
0xc0: {  	v1 =	vld [tilespmem:$0xA70];
	_ =	sdelay $0x4  }
0xc1: {  	[tilespmem:s29+$0x170] =	vst v1  }
0xc2: {  	v1 =	vld [tilespmem:$0xE80];
	_ =	sdelay $0x4  }
0xc3: {  	[tilespmem:s29+$0x180] =	vst v1  }
0xc4: {  	v1 =	vld [tilespmem:$0xE90];
	_ =	sdelay $0x4  }
0xc5: {  	[tilespmem:s29+$0x190] =	vst v1  }
0xc6: {  	v1 =	vld [tilespmem:$0xEA0];
	_ =	sdelay $0x4  }
0xc7: {  	[tilespmem:s29+$0x1A0] =	vst v1  }
0xc8: {  	v1 =	vld [tilespmem:$0xEB0];
	_ =	sdelay $0x4  }
0xc9: {  	[tilespmem:s29+$0x1B0] =	vst v1  }
0xca: {  	v1 =	vld [tilespmem:$0xEC0];
	_ =	sdelay $0x4  }
0xcb: {  	[tilespmem:s29+$0x1C0] =	vst v1  }
0xcc: {  	v1 =	vld [tilespmem:$0xED0];
	_ =	sdelay $0x4  }
0xcd: {  	[tilespmem:s29+$0x1D0] =	vst v1  }
0xce: {  	v1 =	vld [tilespmem:$0xEE0];
	_ =	sdelay $0x4  }
0xcf: {  	[tilespmem:s29+$0x1E0] =	vst v1  }
0xd0: {  	v1 =	vld [tilespmem:$0xEF0];
	_ =	sdelay $0x4  }
0xd1: {  	[tilespmem:s29+$0x1F0] =	vst v1  }
0xd2: {  	v1 =	vld [tilespmem:$0x1300];
	_ =	sdelay $0x4  }
0xd3: {  	[tilespmem:s29+$0x200] =	vst v1  }
0xd4: {  	v1 =	vld [tilespmem:$0x1310];
	_ =	sdelay $0x4  }
0xd5: {  	[tilespmem:s29+$0x210] =	vst v1  }
0xd6: {  	v1 =	vld [tilespmem:$0x1320];
	_ =	sdelay $0x4  }
0xd7: {  	[tilespmem:s29+$0x220] =	vst v1  }
0xd8: {  	v1 =	vld [tilespmem:$0x1330];
	_ =	sdelay $0x4  }
0xd9: {  	[tilespmem:s29+$0x230] =	vst v1  }
0xda: {  	v1 =	vld [tilespmem:$0x1340];
	_ =	sdelay $0x4  }
0xdb: {  	[tilespmem:s29+$0x240] =	vst v1  }
0xdc: {  	v1 =	vld [tilespmem:$0x1350];
	_ =	sdelay $0x4  }
0xdd: {  	[tilespmem:s29+$0x250] =	vst v1  }
0xde: {  	v1 =	vld [tilespmem:$0x1360];
	_ =	sdelay $0x4  }
0xdf: {  	[tilespmem:s29+$0x260] =	vst v1  }
0xe0: {  	v1 =	vld [tilespmem:$0x1370];
	_ =	sdelay $0x4  }
0xe1: {  	[tilespmem:s29+$0x270] =	vst v1  }
0xe2: {  	v1 =	vld [tilespmem:$0x1780];
	_ =	sdelay $0x4  }
0xe3: {  	[tilespmem:s29+$0x280] =	vst v1  }
0xe4: {  	v1 =	vld [tilespmem:$0x1790];
	_ =	sdelay $0x4  }
0xe5: {  	[tilespmem:s29+$0x290] =	vst v1  }
0xe6: {  	v1 =	vld [tilespmem:$0x17A0];
	_ =	sdelay $0x4  }
0xe7: {  	[tilespmem:s29+$0x2A0] =	vst v1  }
0xe8: {  	v1 =	vld [tilespmem:$0x17B0];
	_ =	sdelay $0x4  }
0xe9: {  	[tilespmem:s29+$0x2B0] =	vst v1  }
0xea: {  	v1 =	vld [tilespmem:$0x17C0];
	_ =	sdelay $0x4  }
0xeb: {  	[tilespmem:s29+$0x2C0] =	vst v1  }
0xec: {  	v1 =	vld [tilespmem:$0x17D0];
	_ =	sdelay $0x4  }
0xed: {  	[tilespmem:s29+$0x2D0] =	vst v1  }
0xee: {  	v1 =	vld [tilespmem:$0x17E0];
	_ =	sdelay $0x4  }
0xef: {  	[tilespmem:s29+$0x2E0] =	vst v1  }
0xf0: {  	v1 =	vld [tilespmem:$0x17F0];
	_ =	sdelay $0x4  }
0xf1: {  	[tilespmem:s29+$0x2F0] =	vst v1  }
0xf2: {  	v1 =	vld [tilespmem:$0x1C00];
	_ =	sdelay $0x4  }
0xf3: {  	[tilespmem:s29+$0x300] =	vst v1  }
0xf4: {  	v1 =	vld [tilespmem:$0x1C10];
	_ =	sdelay $0x4  }
0xf5: {  	[tilespmem:s29+$0x310] =	vst v1  }
0xf6: {  	v1 =	vld [tilespmem:$0x1C20];
	_ =	sdelay $0x4  }
0xf7: {  	[tilespmem:s29+$0x320] =	vst v1  }
0xf8: {  	v1 =	vld [tilespmem:$0x1C30];
	_ =	sdelay $0x4  }
0xf9: {  	[tilespmem:s29+$0x330] =	vst v1  }
0xfa: {  	v1 =	vld [tilespmem:$0x1C40];
	_ =	sdelay $0x4  }
0xfb: {  	[tilespmem:s29+$0x340] =	vst v1  }
0xfc: {  	v1 =	vld [tilespmem:$0x1C50];
	_ =	sdelay $0x4  }
0xfd: {  	[tilespmem:s29+$0x350] =	vst v1  }
0xfe: {  	v1 =	vld [tilespmem:$0x1C60];
	_ =	sdelay $0x4  }
0xff: {  	[tilespmem:s29+$0x360] =	vst v1  }
0x100: {  	v1 =	vld [tilespmem:$0x1C70];
	_ =	sdelay $0x4  }
0x101: {  	[tilespmem:s29+$0x370] =	vst v1  }
0x102: {  	v1 =	vld [tilespmem:$0x2080];
	_ =	sdelay $0x4  }
0x103: {  	[tilespmem:s29+$0x380] =	vst v1  }
0x104: {  	v1 =	vld [tilespmem:$0x2090];
	_ =	sdelay $0x4  }
0x105: {  	[tilespmem:s29+$0x390] =	vst v1  }
0x106: {  	v1 =	vld [tilespmem:$0x20A0];
	_ =	sdelay $0x4  }
0x107: {  	[tilespmem:s29+$0x3A0] =	vst v1  }
0x108: {  	v1 =	vld [tilespmem:$0x20B0];
	_ =	sdelay $0x4  }
0x109: {  	[tilespmem:s29+$0x3B0] =	vst v1  }
0x10a: {  	v1 =	vld [tilespmem:$0x20C0];
	_ =	sdelay $0x4  }
0x10b: {  	[tilespmem:s29+$0x3C0] =	vst v1  }
0x10c: {  	v1 =	vld [tilespmem:$0x20D0];
	_ =	sdelay $0x4  }
0x10d: {  	[tilespmem:s29+$0x3D0] =	vst v1  }
0x10e: {  	v1 =	vld [tilespmem:$0x20E0];
	_ =	sdelay $0x4  }
0x10f: {  	[tilespmem:s29+$0x3E0] =	vst v1  }
0x110: {  	v1 =	vld [tilespmem:$0x20F0]  }
.Ltmp4:
0x111: {  	_ = 	snop;
	(pc) =	sbr.rel .LBB2_6-.Ltmp4, $4  }
0x112: {  	s21 =	sshll.u32 s0, $0x3  }
0x113: {  	s1 =	sor.u32 s4, s21  }
0x114: {  	s1 =	sshll.u32 s1, $0xB  }
0x115: {  	s21 =	sadd.s32 s2, s1;
	s1 =	simm.s32 $0x2100;
	[tilespmem:s29+$0x3F0] =	vst v1  }
.LBB2_3:
0x116: {  	v1 =	vld [tilespmem:s31+$0x0];
	_ =	sdelay $0x4  }
0x117: {  	v2 =	vsub.s32 $0x0, v1  }
0x118: {  	v1 =	vmin.u32 v1, v2  }
0x119: {  	v1 =	vshll.u32 v1, $0x7  }
0x11a: {  	v1 =	vadd.s32 $0xFFFFFF80, v1  }
0x11b: {  	(v2sf) =	vpush v1, $0x0  }
0x11c: {  	(v2sf) =	vpush v1, $0x1  }
0x11d: {  	(v2sf) =	vpush v1, $0x2  }
0x11e: {  	(v2sf) =	vpush v1, $0x3  }
0x11f: {  	(v2sf) =	vpush v1, $0x4  }
0x120: {  	(v2sf) =	vpush v1, $0x5  }
0x121: {  	(v2sf) =	vpush v1, $0x6  }
0x122: {  	(v2sf) =	vpush v1, $0x7;
	_ =	sdelay $0x7  }
0x123: {  	s21 =	spop (v2sf)  }
0x124: {  	s20 =	spop (v2sf)  }
0x125: {  	s19 =	spop (v2sf)  }
0x126: {  	s18 =	spop (v2sf)  }
0x127: {  	s17 =	spop (v2sf)  }
0x128: {  	s16 =	spop (v2sf)  }
0x129: {  	s15 =	spop (v2sf)  }
0x12a: {  	s1 =	spop (v2sf)  }
0x12b: {  	p0 =	sne.s32 s21, s1  }
0x12c: {  	p1 =	sne.s32 @!p0 s21, s15  }
0x12d: {  	p0 =	por p0, p1  }
0x12e: {  	p1 =	sne.s32 @!p0 s21, s16  }
0x12f: {  	p0 =	por p0, p1  }
0x130: {  	p1 =	sne.s32 @!p0 s21, s17  }
0x131: {  	p0 =	por p0, p1  }
0x132: {  	p1 =	sne.s32 @!p0 s21, s18  }
0x133: {  	p0 =	por p0, p1  }
0x134: {  	p1 =	sne.s32 @!p0 s21, s20  }
0x135: {  	p0 =	por p0, p1  }
0x136: {  	p1 =	sne.s32 @!p0 s21, s19  }
0x137: {  	p0 =	por p0, p1  }
.Ltmp5:
0x138: {  	_ = 	snop;
	(pc) =	sbr.rel @p0 .LBB2_5-.Ltmp5, $3  }
0x139: {  	_ =	sdelay $0x1  }
0x13a: {  	s21 =	sadd.s32 s21, s11  }
0x13b: {  	s21 =	sadd.s32 s30, s21  }
0x13c: {  	s1 =	smov.u32 s29  }
.LBB2_6:
0x13d: {  	s30 =	sadd.s32 $0x4000, s30  }
0x13e: {  	p0 =	sne.s32 s30, $0x40000  }
.Ltmp6:
0x13f: {  	_ = 	snop;
	(pc) =	sbr.rel @p0 .LBB2_3-.Ltmp6, $3  }
0x140: {  	_ =	sdelay $0x1  }
0x141: {  	[tilespmem:s1], [sflag:$0x1] =	stream.linear.gather [hbm4b:s21+s3], $0x400, $0x38;
	[tilespmem:$0x6500] =	vst v63  }
0x142: {  	s0 =	sadd.s32 $0x1, s0;
	s31 =	sadd.s32 $0x8, s31;
	s29 =	sadd.s32 $0x400, s29  }
0x143: {  	_ =	swait.ge [sflag:s13], $0x400  }
0x144: {  	[sflag:s13] =	ssyncset.done $0x0  }
0x145: {  	[sflag:s13] =	ssyncadd.s32 $0xFFFFFC00  }
0x146: {  	_ =	swait.ge [sflag:s13], $0x400  }
0x147: {  	[sflag:s13] =	ssyncset.done $0x0  }
0x148: {  	[sflag:s13] =	ssyncadd.s32 $0xFFFFFC00  }
0x149: {  	_ =	swait.ge [sflag:s13], $0x400  }
0x14a: {  	[sflag:s13] =	ssyncset.done $0x0  }
0x14b: {  	[sflag:s13] =	ssyncadd.s32 $0xFFFFFC00  }
0x14c: {  	_ =	swait.ge [sflag:s13], $0x400  }
0x14d: {  	[sflag:s13] =	ssyncset.done $0x0  }
0x14e: {  	[sflag:s13] =	ssyncadd.s32 $0xFFFFFC00  }
0x14f: {  	_ =	swait.ge [sflag:s13], $0x400  }
0x150: {  	[sflag:s13] =	ssyncset.done $0x0  }
0x151: {  	[sflag:s13] =	ssyncadd.s32 $0xFFFFFC00  }
0x152: {  	_ =	swait.ge [sflag:s13], $0x400  }
0x153: {  	[sflag:s13] =	ssyncset.done $0x0  }
0x154: {  	[sflag:s13] =	ssyncadd.s32 $0xFFFFFC00  }
0x155: {  	_ =	swait.ge [sflag:s13], $0x400  }
0x156: {  	[sflag:s13] =	ssyncset.done $0x0  }
0x157: {  	[sflag:s13] =	ssyncadd.s32 $0xFFFFFC00  }
0x158: {  	_ =	swait.ge [sflag:s13], $0x400  }
0x159: {  	[sflag:s13] =	ssyncset.done $0x0  }
0x15a: {  	[sflag:s13] =	ssyncadd.s32 $0xFFFFFC00  }
0x15b: {  	_ =	swait.ge [sflag:s13], $0x400  }
0x15c: {  	[sflag:s13] =	ssyncset.done $0x0  }
0x15d: {  	[sflag:s13] =	ssyncadd.s32 $0xFFFFFC00  }
0x15e: {  	_ =	swait.ge [sflag:s13], $0x400  }
0x15f: {  	[sflag:s13] =	ssyncset.done $0x0  }
0x160: {  	[sflag:s13] =	ssyncadd.s32 $0xFFFFFC00  }
0x161: {  	_ =	swait.ge [sflag:s13], $0x400  }
0x162: {  	[sflag:s13] =	ssyncset.done $0x0  }
0x163: {  	[sflag:s13] =	ssyncadd.s32 $0xFFFFFC00  }
0x164: {  	_ =	swait.ge [sflag:s13], $0x400  }
0x165: {  	[sflag:s13] =	ssyncset.done $0x0  }
0x166: {  	[sflag:s13] =	ssyncadd.s32 $0xFFFFFC00  }
0x167: {  	_ =	swait.ge [sflag:s13], $0x400  }
0x168: {  	[sflag:s13] =	ssyncset.done $0x0  }
0x169: {  	[sflag:s13] =	ssyncadd.s32 $0xFFFFFC00  }
0x16a: {  	_ =	swait.ge [sflag:s13], $0x400  }
0x16b: {  	[sflag:s13] =	ssyncset.done $0x0  }
0x16c: {  	[sflag:s13] =	ssyncadd.s32 $0xFFFFFC00  }
0x16d: {  	_ =	swait.ge [sflag:s13], $0x400  }
0x16e: {  	[sflag:s13] =	ssyncset.done $0x0  }
0x16f: {  	[sflag:s13] =	ssyncadd.s32 $0xFFFFFC00  }
0x170: {  	_ =	swait.ge [sflag:s13], $0x400  }
0x171: {  	[sflag:s13] =	ssyncset.done $0x0  }
.Ltmp7:
0x172: {  	[sflag:s13] =	ssyncadd.s32 $0xFFFFFC00;
	(pc) =	sbr.rel .LBB2_8-.Ltmp7, $4  }
0x173: {  	[hbm4b:s8+s3] =	stream.linear.scatter [tilespmem:s14], [sflag:$0x3], $0x4000, $0x38;
	[tilespmem:$0x6500] =	vst v63  }
0x174: {  	_ =	swait.ge [sflag:s12], $0x4000  }
0x175: {  	[sflag:s12] =	ssyncset.done $0x0  }
0x176: {  	[sflag:s12] =	ssyncadd.s32 $0xFFFFC000  }
.LBB2_9:
0x177: {  	_ =	sfence.sel $0x180000  }
0x178: {  	[bflag:$0x0] =	sbarrier.arrive $0xFFFF  }
0x179: {  	_ =	strace $0x90000047  }
0x17a: {  	s0 =	stileid.u32;
	[bflag:$0x2] =	sbarrier.arrive $0xFFFF  }
0x17b: {  	p0 =	sne.s32 s0, $0x0;
	s0 =	rddreg [dreg:$0x3]  }
0x17c: {  	s0 =	sadd.s32 @!p0 $0x100000, s0  }
0x17d: {  	[sflag:s0] =	ssyncadd.tile.s32 @!p0 $0x1;
	_ =	shalt  }
.Lfunc_end2:
_tile_overlayer_lowered:
.L_overlay_start_2:
0x17e: {  	(tag) =	ssettag $0x2  }
0x17f: {  	s0 =	rddreg [dreg:$0x0];
	s2 =	stileid.u32  }
0x180: {  	s1 =	rddreg [dreg:$0x1];
	p0 =	sne.s32 s2, $0x0  }
0x181: {  	s3 =	rddreg [dreg:$0x2];
	[bflag:$0x3] =	sbarrier.arrive $0xFFFF;
	s2 =	simm.s32 @!p0 $0x1C03  }
0x182: {  	[timem:s3], [sflag:s2] =	dma.local @!p0 [hbm:s0], s1  }
0x183: {  	s0 =	simm.s32 @!p0 $0x3  }
0x184: {  	_ =	swait.ge @!p0 [sflag:s0], s1  }
0x185: {  	s1 =	ssub.s32 @!p0 $0x0, s1;
	[sflag:s0] =	ssyncset.done @!p0 $0x0  }
0x186: {  	[sflag:s0] =	ssyncadd.s32 @!p0 s1  }
0x187: {  	[bflag:$0x3] =	sbarrier.arrive $0xFFFF  }
0x188: {  	_ =	shalt  }

</sc_bundles>
